<compile_context>
chip_gen: v7x
topology: tpu7x:2x2x1
jax: 0.10.2.dev20260603
libtpu: 0.0.44.dev20260713+nightly
codegen_flags: <defaults>
</compile_context>

<pallas_src>
import functools

import jax
import jax.numpy as jnp
from jax import lax
from jax.experimental import pallas as pl
from jax.experimental.pallas import tpu as pltpu
from jax.experimental.pallas import tpu_sc as plsc

_NB = 128
_SCALE = 1.0
_N = 262144

_INFO = plsc.get_sparse_core_info()
_NC = _INFO.num_cores
_NS = _INFO.num_subcores
_NW = _NC * _NS
_L = _INFO.num_lanes
_PPW = _N // _NW
_CHUNK = 128
_NCHUNK = _PPW // _CHUNK
_SUB = _CHUNK // _L
_RING = 8


def _body(x_hbm, y_hbm, z_hbm, table_hbm,
          o0_hbm, o1_hbm, o2_hbm, o3_hbm,
          x_v, y_v, z_v, cond_v, e0_v, e1_v, e2_v, e3_v,
          c0_v, c1_v, c2_v, c3_v, sems):
    wid = lax.axis_index("s") * _NC + lax.axis_index("c")
    base = wid * _PPW

    with jax.named_scope("stage_xyz"):
        pltpu.sync_copy(x_hbm.at[pl.ds(base, _PPW)], x_v)
        pltpu.sync_copy(y_hbm.at[pl.ds(base, _PPW)], y_v)
        pltpu.sync_copy(z_hbm.at[pl.ds(base, _PPW)], z_v)

    inv_cell = jnp.float32(_NB / _SCALE)
    half_nb = jnp.float32(_NB // 2)
    bound = jnp.float32(_SCALE / 2)

    evs = (e0_v, e1_v, e2_v, e3_v)
    cvs = (c0_v, c1_v, c2_v, c3_v)

    def p1(c):
        @plsc.parallel_loop(0, _SUB, unroll=2)
        def _(k):
            s = c * _CHUNK + k * _L
            x = x_v[pl.ds(s, _L)]
            y = y_v[pl.ds(s, _L)]
            z = z_v[pl.ds(s, _L)]
            ix = jnp.clip((x * inv_cell + half_nb).astype(jnp.int32), 0, _NB - 1)
            iy = jnp.clip((y * inv_cell + half_nb).astype(jnp.int32), 0, _NB - 1)
            iz = jnp.clip((z * inv_cell + half_nb).astype(jnp.int32), 0, _NB - 1)
            e0 = ((ix * _NB + iy) << 9) + iz
            e0_v[pl.ds(s, _L)] = e0
            e1_v[pl.ds(s, _L)] = e0 + 128
            e2_v[pl.ds(s, _L)] = e0 + 256
            e3_v[pl.ds(s, _L)] = e0 + 384
            cond = ((jnp.abs(x) < bound) & (jnp.abs(y) < bound)
                    & (jnp.abs(z) < bound))
            cond_v[pl.ds(s, _L)] = jnp.where(cond, 1.0, 0.0).astype(jnp.float32)

    def fire(c):
        sem = sems.at[lax.rem(c, _RING)]
        for ev, cv in zip(evs, cvs):
            pltpu.make_async_copy(
                table_hbm.at[ev.at[pl.ds(c * _CHUNK, _CHUNK)]],
                cv.at[pl.ds(c * _CHUNK, _CHUNK)],
                sem,
            ).start()

    def drain(c):
        sem = sems.at[lax.rem(c, _RING)]
        for ev, cv in zip(evs, cvs):
            pltpu.make_async_copy(
                table_hbm.at[ev.at[pl.ds(c * _CHUNK, _CHUNK)]],
                cv.at[pl.ds(c * _CHUNK, _CHUNK)],
                sem,
            ).wait()

    def p3(c):
        @plsc.parallel_loop(0, _SUB, unroll=2)
        def _(k):
            s = c * _CHUNK + k * _L
            m = cond_v[pl.ds(s, _L)]
            v0 = c0_v[pl.ds(s, _L)] * m
            v1 = c1_v[pl.ds(s, _L)] * m
            v2 = c2_v[pl.ds(s, _L)] * m
            v3 = c3_v[pl.ds(s, _L)] * m
            c0_v[pl.ds(s, _L)] = 1.0 / (1.0 + jnp.exp(-v0))
            c1_v[pl.ds(s, _L)] = 1.0 / (1.0 + jnp.exp(-v1))
            c2_v[pl.ds(s, _L)] = 1.0 / (1.0 + jnp.exp(-v2))
            c3_v[pl.ds(s, _L)] = jnp.maximum(v3, 0.0)

    def prof(c, _):
        p1(c)
        fire(c)
        return 0

    with jax.named_scope("prologue"):
        lax.fori_loop(0, _RING, prof, 0)

    def steady(c, _):
        p1(c + _RING)
        drain(c)
        fire(c + _RING)
        p3(c)
        return 0

    with jax.named_scope("steady"):
        lax.fori_loop(0, _NCHUNK - _RING, steady, 0)

    def epi(c, _):
        drain(c)
        p3(c)
        return 0

    with jax.named_scope("epilogue"):
        lax.fori_loop(_NCHUNK - _RING, _NCHUNK, epi, 0)

    with jax.named_scope("out"):
        pltpu.sync_copy(c0_v, o0_hbm.at[pl.ds(base, _PPW)])
        pltpu.sync_copy(c1_v, o1_hbm.at[pl.ds(base, _PPW)])
        pltpu.sync_copy(c2_v, o2_hbm.at[pl.ds(base, _PPW)])
        pltpu.sync_copy(c3_v, o3_hbm.at[pl.ds(base, _PPW)])


@jax.jit
def _run(x, y, z, table):
    mesh = plsc.VectorSubcoreMesh(core_axis_name="c", subcore_axis_name="s")
    f = functools.partial(
        pl.kernel,
        mesh=mesh,
        out_type=[jax.ShapeDtypeStruct((_N,), jnp.float32)] * 4,
        scratch_types=[
            pltpu.VMEM((_PPW,), jnp.float32),
            pltpu.VMEM((_PPW,), jnp.float32),
            pltpu.VMEM((_PPW,), jnp.float32),
            pltpu.VMEM((_PPW,), jnp.float32),
            pltpu.VMEM((_PPW,), jnp.int32),
            pltpu.VMEM((_PPW,), jnp.int32),
            pltpu.VMEM((_PPW,), jnp.int32),
            pltpu.VMEM((_PPW,), jnp.int32),
            pltpu.VMEM((_PPW,), jnp.float32),
            pltpu.VMEM((_PPW,), jnp.float32),
            pltpu.VMEM((_PPW,), jnp.float32),
            pltpu.VMEM((_PPW,), jnp.float32),
            pltpu.SemaphoreType.DMA((_RING,)),
        ],
        compiler_params=pltpu.CompilerParams(
            needs_layout_passes=False, use_tc_tiling_on_sc=False),
    )(_body)
    return f(x, y, z, table)


def kernel(xyz, d, voxels):
    del d
    table = jnp.transpose(voxels, (0, 1, 3, 2)).reshape(-1)
    c0, c1, c2, c3 = _run(xyz[:, 0], xyz[:, 1], xyz[:, 2], table)
    colors = jnp.stack([c0, c1, c2], axis=1)
    return colors, c3

# --- scband reference (transcript-rebuilt; emitter-appended) ---
"""Pipeline reference for scband-voxels-75213467288156 (READ-ONLY COPY).

The authoritative reference and input builder live on the scoring server;
editing this copy changes nothing except your own understanding.
"""

import jax, jax.numpy as jnp
import numpy as np

NB_VOXELS = 128
SCALE = 1.0
N = 262144


def setup_inputs(seed: int = 0) -> dict:
    key = jax.random.key(seed)
    k1, k2, k3 = jax.random.split(key, 3)
    xyz = jax.random.uniform(k1, (N, 3), dtype=jnp.float32, minval=-0.6, maxval=0.6)
    d = jax.random.normal(k2, (N, 3), dtype=jnp.float32)
    voxels = jax.random.uniform(k3, (NB_VOXELS, NB_VOXELS, NB_VOXELS, 4), dtype=jnp.float32)
    return {"xyz": xyz, "d": d, "voxels": voxels}


def reference(xyz, d, voxels):
    nb = NB_VOXELS
    scale = SCALE
    x = xyz[:, 0]
    y = xyz[:, 1]
    z = xyz[:, 2]
    cond = (jnp.abs(x) < scale / 2) & (jnp.abs(y) < scale / 2) & (jnp.abs(z) < scale / 2)
    # torch .long() truncates toward zero; jnp astype(int32) matches
    i_x = jnp.clip((x / (scale / nb) + nb // 2).astype(jnp.int32), 0, nb - 1)
    i_y = jnp.clip((y / (scale / nb) + nb // 2).astype(jnp.int32), 0, nb - 1)
    i_z = jnp.clip((z / (scale / nb) + nb // 2).astype(jnp.int32), 0, nb - 1)
    gathered = voxels[i_x, i_y, i_z]  # [N, 4]
    colors_and_density = jnp.where(cond[:, None], gathered, 0.0)
    colors = jax.nn.sigmoid(colors_and_density[:, :3])
    density = jax.nn.relu(colors_and_density[:, 3])
    return colors, density

if __name__ == "__main__":
    import jax
    _d = setup_inputs()
    print(jax.jit(kernel)(*tuple(_d.values())))

</pallas_src>

<mosaic_0001>
#map = affine_map<(d0, d1) -> (0)>
module attributes {stable_mosaic.version = 14 : i64} {
  func.func @_body(%arg0: i32, %arg1: i32, %arg2: memref<262144xf32, #tpu.memory_space<hbm>>, %arg3: memref<262144xf32, #tpu.memory_space<hbm>>, %arg4: memref<262144xf32, #tpu.memory_space<hbm>>, %arg5: memref<8388608xf32, #tpu.memory_space<hbm>>, %arg6: memref<262144xf32, #tpu.memory_space<hbm>>, %arg7: memref<262144xf32, #tpu.memory_space<hbm>>, %arg8: memref<262144xf32, #tpu.memory_space<hbm>>, %arg9: memref<262144xf32, #tpu.memory_space<hbm>>, %arg10: memref<8192xf32, #tpu.memory_space<vmem>>, %arg11: memref<8192xf32, #tpu.memory_space<vmem>>, %arg12: memref<8192xf32, #tpu.memory_space<vmem>>, %arg13: memref<8192xf32, #tpu.memory_space<vmem>>, %arg14: memref<8192xi32, #tpu.memory_space<vmem>>, %arg15: memref<8192xi32, #tpu.memory_space<vmem>>, %arg16: memref<8192xi32, #tpu.memory_space<vmem>>, %arg17: memref<8192xi32, #tpu.memory_space<vmem>>, %arg18: memref<8192xf32, #tpu.memory_space<vmem>>, %arg19: memref<8192xf32, #tpu.memory_space<vmem>>, %arg20: memref<8192xf32, #tpu.memory_space<vmem>>, %arg21: memref<8192xf32, #tpu.memory_space<vmem>>, %arg22: memref<8x!tpu.dma_semaphore, #tpu.memory_space<semaphore_mem>>) attributes {dimension_semantics = [#tpu.dimension_semantics<core_parallel>, #tpu.dimension_semantics<subcore_parallel>], iteration_bounds = array<i64: 2, 16>, scalar_prefetch = 0 : i64, scratch_operands = 13 : i64, tpu.core_type = #tpu.core_type<sc_vector_subcore>, window_params = [{transform_indices = #map}, {transform_indices = #map}, {transform_indices = #map}, {transform_indices = #map}, {transform_indices = #map}, {transform_indices = #map}, {transform_indices = #map}, {transform_indices = #map}]} {
    %mul3A = arith.constant 2 : i32
    %mul3A_0 = arith.muli %arg1, %mul3A : i32
    %add3A = arith.addi %mul3A_0, %arg0 : i32
    %mul3A_1 = arith.constant 8192 : i32
    %mul3A_2 = arith.muli %add3A, %mul3A_1 : i32
    "tpu.trace_start"() <{level = 10 : i32, message = "stage_xyz"}> : () -> ()
    "tpu.region"() ({
      %run_scoped3A = tpu.sem_alloc : memref<!tpu.dma_semaphore, #tpu.memory_space<semaphore_mem>>
      %dma_start3A = tpu.memref_slice %arg2[%mul3A_2] : memref<262144xf32, #tpu.memory_space<hbm>> -> memref<8192xf32, #tpu.memory_space<hbm>>
      %dma_start3A_29 = tpu.memref_slice %arg2[%mul3A_2] : memref<262144xf32, #tpu.memory_space<hbm>> -> memref<8192xf32, #tpu.memory_space<hbm>>
      tpu.enqueue_dma source(%dma_start3A_29 : memref<8192xf32, #tpu.memory_space<hbm>>) target(%arg10 : memref<8192xf32, #tpu.memory_space<vmem>>) target_semaphore(%run_scoped3A : memref<!tpu.dma_semaphore, #tpu.memory_space<semaphore_mem>>)
      %dma_wait3A = tpu.memref_slice %arg2[%mul3A_2] : memref<262144xf32, #tpu.memory_space<hbm>> -> memref<8192xf32, #tpu.memory_space<hbm>>
      %dma_wait3A_30 = tpu.memref_slice %arg2[%mul3A_2] : memref<262144xf32, #tpu.memory_space<hbm>> -> memref<8192xf32, #tpu.memory_space<hbm>>
      tpu.wait_dma2 semaphore(%run_scoped3A : memref<!tpu.dma_semaphore, #tpu.memory_space<semaphore_mem>>) src(%dma_wait3A_30 : memref<8192xf32, #tpu.memory_space<hbm>>) dst(%arg10 : memref<8192xf32, #tpu.memory_space<vmem>>)
      tpu.yield
    }) : () -> ()
    "tpu.region"() ({
      %run_scoped3A = tpu.sem_alloc : memref<!tpu.dma_semaphore, #tpu.memory_space<semaphore_mem>>
      %dma_start3A = tpu.memref_slice %arg3[%mul3A_2] : memref<262144xf32, #tpu.memory_space<hbm>> -> memref<8192xf32, #tpu.memory_space<hbm>>
      %dma_start3A_29 = tpu.memref_slice %arg3[%mul3A_2] : memref<262144xf32, #tpu.memory_space<hbm>> -> memref<8192xf32, #tpu.memory_space<hbm>>
      tpu.enqueue_dma source(%dma_start3A_29 : memref<8192xf32, #tpu.memory_space<hbm>>) target(%arg11 : memref<8192xf32, #tpu.memory_space<vmem>>) target_semaphore(%run_scoped3A : memref<!tpu.dma_semaphore, #tpu.memory_space<semaphore_mem>>)
      %dma_wait3A = tpu.memref_slice %arg3[%mul3A_2] : memref<262144xf32, #tpu.memory_space<hbm>> -> memref<8192xf32, #tpu.memory_space<hbm>>
      %dma_wait3A_30 = tpu.memref_slice %arg3[%mul3A_2] : memref<262144xf32, #tpu.memory_space<hbm>> -> memref<8192xf32, #tpu.memory_space<hbm>>
      tpu.wait_dma2 semaphore(%run_scoped3A : memref<!tpu.dma_semaphore, #tpu.memory_space<semaphore_mem>>) src(%dma_wait3A_30 : memref<8192xf32, #tpu.memory_space<hbm>>) dst(%arg11 : memref<8192xf32, #tpu.memory_space<vmem>>)
      tpu.yield
    }) : () -> ()
    "tpu.region"() ({
      %run_scoped3A = tpu.sem_alloc : memref<!tpu.dma_semaphore, #tpu.memory_space<semaphore_mem>>
      %dma_start3A = tpu.memref_slice %arg4[%mul3A_2] : memref<262144xf32, #tpu.memory_space<hbm>> -> memref<8192xf32, #tpu.memory_space<hbm>>
      %dma_start3A_29 = tpu.memref_slice %arg4[%mul3A_2] : memref<262144xf32, #tpu.memory_space<hbm>> -> memref<8192xf32, #tpu.memory_space<hbm>>
      tpu.enqueue_dma source(%dma_start3A_29 : memref<8192xf32, #tpu.memory_space<hbm>>) target(%arg12 : memref<8192xf32, #tpu.memory_space<vmem>>) target_semaphore(%run_scoped3A : memref<!tpu.dma_semaphore, #tpu.memory_space<semaphore_mem>>)
      %dma_wait3A = tpu.memref_slice %arg4[%mul3A_2] : memref<262144xf32, #tpu.memory_space<hbm>> -> memref<8192xf32, #tpu.memory_space<hbm>>
      %dma_wait3A_30 = tpu.memref_slice %arg4[%mul3A_2] : memref<262144xf32, #tpu.memory_space<hbm>> -> memref<8192xf32, #tpu.memory_space<hbm>>
      tpu.wait_dma2 semaphore(%run_scoped3A : memref<!tpu.dma_semaphore, #tpu.memory_space<semaphore_mem>>) src(%dma_wait3A_30 : memref<8192xf32, #tpu.memory_space<hbm>>) dst(%arg12 : memref<8192xf32, #tpu.memory_space<vmem>>)
      tpu.yield
    }) : () -> ()
    "tpu.trace_stop"() : () -> ()
    "tpu.trace_start"() <{level = 10 : i32, message = "prologue"}> : () -> ()
    %scan3A = arith.constant 1.280000e+02 : f32
    %scan3A_3 = arith.constant 6.400000e+01 : f32
    %scan3A_4 = arith.constant 5.000000e-01 : f32
    %scan3A_5 = arith.constant 0 : i32
    %scan3A_6 = arith.constant 0 : i32
    %scan3A_7 = arith.constant 8 : i32
    %scan3A_8 = arith.addi %scan3A_6, %scan3A_7 : i32
    %scan3A_9 = arith.constant 1 : i32
    %scan3A_10 = scf.for %scan3A_29 = %scan3A_6 to %scan3A_8 step %scan3A_9 iter_args(%scan3A_30 = %scan3A_5) -> (i32)  : i32 {
      %parallel_loop3A = arith.constant 0 : i32
      %parallel_loop3A_31 = arith.constant 8 : i32
      %parallel_loop3A_32 = arith.constant 1 : i32
      scf.for %parallel_loop3A_74 = %parallel_loop3A to %parallel_loop3A_31 step %parallel_loop3A_32  : i32 {
        %parallel_loop3A_75 = arith.constant 128 : i32
        %parallel_loop3A_76 = arith.muli %scan3A_29, %parallel_loop3A_75 : i32
        %parallel_loop3A_77 = arith.constant 16 : i32
        %parallel_loop3A_78 = arith.muli %parallel_loop3A_74, %parallel_loop3A_77 : i32
        %parallel_loop3A_79 = arith.addi %parallel_loop3A_76, %parallel_loop3A_78 : i32
        %parallel_loop3A_80 = arith.index_cast %parallel_loop3A_79 : i32 to index
        %parallel_loop3A_81 = tpu.vector_load %arg10[%parallel_loop3A_80] {strides = array<i32>} : memref<8192xf32, #tpu.memory_space<vmem>>, vector<16xf32>,
        %parallel_loop3A_82 = arith.index_cast %parallel_loop3A_79 : i32 to index
        %parallel_loop3A_83 = tpu.vector_load %arg11[%parallel_loop3A_82] {strides = array<i32>} : memref<8192xf32, #tpu.memory_space<vmem>>, vector<16xf32>,
        %parallel_loop3A_84 = arith.index_cast %parallel_loop3A_79 : i32 to index
        %parallel_loop3A_85 = tpu.vector_load %arg12[%parallel_loop3A_84] {strides = array<i32>} : memref<8192xf32, #tpu.memory_space<vmem>>, vector<16xf32>,
        %parallel_loop3A_86 = vector.broadcast %scan3A : f32 to vector<16xf32>
        %parallel_loop3A_87 = arith.mulf %parallel_loop3A_81, %parallel_loop3A_86 : vector<16xf32>
        %parallel_loop3A_88 = vector.broadcast %scan3A_3 : f32 to vector<16xf32>
        %parallel_loop3A_89 = arith.addf %parallel_loop3A_87, %parallel_loop3A_88 : vector<16xf32>
        %parallel_loop3A_90 = arith.fptosi %parallel_loop3A_89 : vector<16xf32> to vector<16xi32>
        %parallel_loop3A_91 = arith.constant 0 : i32
        %parallel_loop3A_92 = arith.constant 127 : i32
        %parallel_loop3A_93 = vector.broadcast %parallel_loop3A_91 : i32 to vector<16xi32>
        %parallel_loop3A_94 = arith.maxsi %parallel_loop3A_93, %parallel_loop3A_90 : vector<16xi32>
        %parallel_loop3A_95 = vector.broadcast %parallel_loop3A_92 : i32 to vector<16xi32>
        %parallel_loop3A_96 = arith.minsi %parallel_loop3A_95, %parallel_loop3A_94 : vector<16xi32>
        %parallel_loop3A_97 = vector.broadcast %scan3A : f32 to vector<16xf32>
        %parallel_loop3A_98 = arith.mulf %parallel_loop3A_83, %parallel_loop3A_97 : vector<16xf32>
        %parallel_loop3A_99 = vector.broadcast %scan3A_3 : f32 to vector<16xf32>
        %parallel_loop3A_100 = arith.addf %parallel_loop3A_98, %parallel_loop3A_99 : vector<16xf32>
        %parallel_loop3A_101 = arith.fptosi %parallel_loop3A_100 : vector<16xf32> to vector<16xi32>
        %parallel_loop3A_102 = arith.constant 0 : i32
        %parallel_loop3A_103 = arith.constant 127 : i32
        %parallel_loop3A_104 = vector.broadcast %parallel_loop3A_102 : i32 to vector<16xi32>
        %parallel_loop3A_105 = arith.maxsi %parallel_loop3A_104, %parallel_loop3A_101 : vector<16xi32>
        %parallel_loop3A_106 = vector.broadcast %parallel_loop3A_103 : i32 to vector<16xi32>
        %parallel_loop3A_107 = arith.minsi %parallel_loop3A_106, %parallel_loop3A_105 : vector<16xi32>
        %parallel_loop3A_108 = vector.broadcast %scan3A : f32 to vector<16xf32>
        %parallel_loop3A_109 = arith.mulf %parallel_loop3A_85, %parallel_loop3A_108 : vector<16xf32>
        %parallel_loop3A_110 = vector.broadcast %scan3A_3 : f32 to vector<16xf32>
        %parallel_loop3A_111 = arith.addf %parallel_loop3A_109, %parallel_loop3A_110 : vector<16xf32>
        %parallel_loop3A_112 = arith.fptosi %parallel_loop3A_111 : vector<16xf32> to vector<16xi32>
        %parallel_loop3A_113 = arith.constant 0 : i32
        %parallel_loop3A_114 = arith.constant 127 : i32
        %parallel_loop3A_115 = vector.broadcast %parallel_loop3A_113 : i32 to vector<16xi32>
        %parallel_loop3A_116 = arith.maxsi %parallel_loop3A_115, %parallel_loop3A_112 : vector<16xi32>
        %parallel_loop3A_117 = vector.broadcast %parallel_loop3A_114 : i32 to vector<16xi32>
        %parallel_loop3A_118 = arith.minsi %parallel_loop3A_117, %parallel_loop3A_116 : vector<16xi32>
        %parallel_loop3A_119 = arith.constant 128 : i32
        %parallel_loop3A_120 = vector.broadcast %parallel_loop3A_119 : i32 to vector<16xi32>
        %parallel_loop3A_121 = arith.muli %parallel_loop3A_96, %parallel_loop3A_120 : vector<16xi32>
        %parallel_loop3A_122 = arith.addi %parallel_loop3A_121, %parallel_loop3A_107 : vector<16xi32>
        %parallel_loop3A_123 = arith.constant 9 : i32
        %parallel_loop3A_124 = vector.broadcast %parallel_loop3A_123 : i32 to vector<16xi32>
        %parallel_loop3A_125 = arith.shli %parallel_loop3A_122, %parallel_loop3A_124 : vector<16xi32>
        %parallel_loop3A_126 = arith.addi %parallel_loop3A_125, %parallel_loop3A_118 : vector<16xi32>
        %parallel_loop3A_127 = arith.index_cast %parallel_loop3A_79 : i32 to index
        %parallel_loop3A_128 = tpu.vector_load %arg14[%parallel_loop3A_127] {strides = array<i32>} : memref<8192xi32, #tpu.memory_space<vmem>>, vector<16xi32>,
        tpu.vector_store %arg14[%parallel_loop3A_127], %parallel_loop3A_126 {strides = array<i32>} : memref<8192xi32, #tpu.memory_space<vmem>>, vector<16xi32>,
        %parallel_loop3A_129 = arith.constant 128 : i32
        %parallel_loop3A_130 = vector.broadcast %parallel_loop3A_129 : i32 to vector<16xi32>
        %parallel_loop3A_131 = arith.addi %parallel_loop3A_126, %parallel_loop3A_130 : vector<16xi32>
        %parallel_loop3A_132 = arith.index_cast %parallel_loop3A_79 : i32 to index
        %parallel_loop3A_133 = tpu.vector_load %arg15[%parallel_loop3A_132] {strides = array<i32>} : memref<8192xi32, #tpu.memory_space<vmem>>, vector<16xi32>,
        tpu.vector_store %arg15[%parallel_loop3A_132], %parallel_loop3A_131 {strides = array<i32>} : memref<8192xi32, #tpu.memory_space<vmem>>, vector<16xi32>,
        %parallel_loop3A_134 = arith.constant 256 : i32
        %parallel_loop3A_135 = vector.broadcast %parallel_loop3A_134 : i32 to vector<16xi32>
        %parallel_loop3A_136 = arith.addi %parallel_loop3A_126, %parallel_loop3A_135 : vector<16xi32>
        %parallel_loop3A_137 = arith.index_cast %parallel_loop3A_79 : i32 to index
        %parallel_loop3A_138 = tpu.vector_load %arg16[%parallel_loop3A_137] {strides = array<i32>} : memref<8192xi32, #tpu.memory_space<vmem>>, vector<16xi32>,
        tpu.vector_store %arg16[%parallel_loop3A_137], %parallel_loop3A_136 {strides = array<i32>} : memref<8192xi32, #tpu.memory_space<vmem>>, vector<16xi32>,
        %parallel_loop3A_139 = arith.constant 384 : i32
        %parallel_loop3A_140 = vector.broadcast %parallel_loop3A_139 : i32 to vector<16xi32>
        %parallel_loop3A_141 = arith.addi %parallel_loop3A_126, %parallel_loop3A_140 : vector<16xi32>
        %parallel_loop3A_142 = arith.index_cast %parallel_loop3A_79 : i32 to index
        %parallel_loop3A_143 = tpu.vector_load %arg17[%parallel_loop3A_142] {strides = array<i32>} : memref<8192xi32, #tpu.memory_space<vmem>>, vector<16xi32>,
        tpu.vector_store %arg17[%parallel_loop3A_142], %parallel_loop3A_141 {strides = array<i32>} : memref<8192xi32, #tpu.memory_space<vmem>>, vector<16xi32>,
        %parallel_loop3A_144 = math.absf %parallel_loop3A_81 : vector<16xf32>
        %parallel_loop3A_145 = vector.broadcast %scan3A_4 : f32 to vector<16xf32>
        %parallel_loop3A_146 = arith.cmpf olt, %parallel_loop3A_144, %parallel_loop3A_145 : vector<16xf32>
        %parallel_loop3A_147 = math.absf %parallel_loop3A_83 : vector<16xf32>
        %parallel_loop3A_148 = vector.broadcast %scan3A_4 : f32 to vector<16xf32>
        %parallel_loop3A_149 = arith.cmpf olt, %parallel_loop3A_147, %parallel_loop3A_148 : vector<16xf32>
        %parallel_loop3A_150 = arith.andi %parallel_loop3A_146, %parallel_loop3A_149 : vector<16xi1>
        %parallel_loop3A_151 = math.absf %parallel_loop3A_85 : vector<16xf32>
        %parallel_loop3A_152 = vector.broadcast %scan3A_4 : f32 to vector<16xf32>
        %parallel_loop3A_153 = arith.cmpf olt, %parallel_loop3A_151, %parallel_loop3A_152 : vector<16xf32>
        %parallel_loop3A_154 = arith.andi %parallel_loop3A_150, %parallel_loop3A_153 : vector<16xi1>
        %parallel_loop3A_155 = arith.constant 1.000000e+00 : f32
        %parallel_loop3A_156 = arith.constant 0.000000e+00 : f32
        %parallel_loop3A_157 = vector.broadcast %parallel_loop3A_155 : f32 to vector<16xf32>
        %parallel_loop3A_158 = vector.broadcast %parallel_loop3A_156 : f32 to vector<16xf32>
        %parallel_loop3A_159 = arith.select %parallel_loop3A_154, %parallel_loop3A_157, %parallel_loop3A_158 : vector<16xi1>, vector<16xf32>
        %parallel_loop3A_160 = arith.index_cast %parallel_loop3A_79 : i32 to index
        %parallel_loop3A_161 = tpu.vector_load %arg13[%parallel_loop3A_160] {strides = array<i32>} : memref<8192xf32, #tpu.memory_space<vmem>>, vector<16xf32>,
        tpu.vector_store %arg13[%parallel_loop3A_160], %parallel_loop3A_159 {strides = array<i32>} : memref<8192xf32, #tpu.memory_space<vmem>>, vector<16xf32>,
      } {sc.loop_unroll_factor = 2 : i64, sc.parallel_access}
      %rem3A = arith.constant 8 : i32
      %rem3A_33 = arith.remsi %scan3A_29, %rem3A : i32
      %mul3A_34 = arith.constant 128 : i32
      %mul3A_35 = arith.muli %scan3A_29, %mul3A_34 : i32
      %mul3A_36 = arith.constant 128 : i32
      %mul3A_37 = arith.muli %scan3A_29, %mul3A_36 : i32
      %dma_start3A = tpu.memref_slice %arg18[%mul3A_37] : memref<8192xf32, #tpu.memory_space<vmem>> -> memref<128xf32, #tpu.memory_space<vmem>>
      %dma_start3A_38 = tpu.memref_slice %arg14[%mul3A_35] : memref<8192xi32, #tpu.memory_space<vmem>> -> memref<128xi32, #tpu.memory_space<vmem>>
      %dma_start3A_39 = arith.constant 0 : i32
      %dma_start3A_40 = tpu.memref_slice %arg5[%dma_start3A_39] : memref<8388608xf32, #tpu.memory_space<hbm>> -> memref<8388608xf32, #tpu.memory_space<hbm>>
      %dma_start3A_41 = tpu.memref_slice %arg22[%rem3A_33] : memref<8x!tpu.dma_semaphore, #tpu.memory_space<semaphore_mem>> -> memref<1x!tpu.dma_semaphore, #tpu.memory_space<semaphore_mem>>
      %dma_start3A_42 = tpu.memref_squeeze %dma_start3A_41 : memref<1x!tpu.dma_semaphore, #tpu.memory_space<semaphore_mem>> -> memref<!tpu.dma_semaphore, #tpu.memory_space<semaphore_mem>>
      tpu.enqueue_indirect_dma source(%dma_start3A_40 : memref<8388608xf32, #tpu.memory_space<hbm>>) target(%dma_start3A : memref<128xf32, #tpu.memory_space<vmem>>) offsets(%dma_start3A_38 : memref<128xi32, #tpu.memory_space<vmem>>) semaphore(%dma_start3A_42 : memref<!tpu.dma_semaphore, #tpu.memory_space<semaphore_mem>>)
      %mul3A_43 = arith.constant 128 : i32
      %mul3A_44 = arith.muli %scan3A_29, %mul3A_43 : i32
      %mul3A_45 = arith.constant 128 : i32
      %mul3A_46 = arith.muli %scan3A_29, %mul3A_45 : i32
      %dma_start3A_47 = tpu.memref_slice %arg19[%mul3A_46] : memref<8192xf32, #tpu.memory_space<vmem>> -> memref<128xf32, #tpu.memory_space<vmem>>
      %dma_start3A_48 = tpu.memref_slice %arg15[%mul3A_44] : memref<8192xi32, #tpu.memory_space<vmem>> -> memref<128xi32, #tpu.memory_space<vmem>>
      %dma_start3A_49 = arith.constant 0 : i32
      %dma_start3A_50 = tpu.memref_slice %arg5[%dma_start3A_49] : memref<8388608xf32, #tpu.memory_space<hbm>> -> memref<8388608xf32, #tpu.memory_space<hbm>>
      %dma_start3A_51 = tpu.memref_slice %arg22[%rem3A_33] : memref<8x!tpu.dma_semaphore, #tpu.memory_space<semaphore_mem>> -> memref<1x!tpu.dma_semaphore, #tpu.memory_space<semaphore_mem>>
      %dma_start3A_52 = tpu.memref_squeeze %dma_start3A_51 : memref<1x!tpu.dma_semaphore, #tpu.memory_space<semaphore_mem>> -> memref<!tpu.dma_semaphore, #tpu.memory_space<semaphore_mem>>
      tpu.enqueue_indirect_dma source(%dma_start3A_50 : memref<8388608xf32, #tpu.memory_space<hbm>>) target(%dma_start3A_47 : memref<128xf32, #tpu.memory_space<vmem>>) offsets(%dma_start3A_48 : memref<128xi32, #tpu.memory_space<vmem>>) semaphore(%dma_start3A_52 : memref<!tpu.dma_semaphore, #tpu.memory_space<semaphore_mem>>)
      %mul3A_53 = arith.constant 128 : i32
      %mul3A_54 = arith.muli %scan3A_29, %mul3A_53 : i32
      %mul3A_55 = arith.constant 128 : i32
      %mul3A_56 = arith.muli %scan3A_29, %mul3A_55 : i32
      %dma_start3A_57 = tpu.memref_slice %arg20[%mul3A_56] : memref<8192xf32, #tpu.memory_space<vmem>> -> memref<128xf32, #tpu.memory_space<vmem>>
      %dma_start3A_58 = tpu.memref_slice %arg16[%mul3A_54] : memref<8192xi32, #tpu.memory_space<vmem>> -> memref<128xi32, #tpu.memory_space<vmem>>
      %dma_start3A_59 = arith.constant 0 : i32
      %dma_start3A_60 = tpu.memref_slice %arg5[%dma_start3A_59] : memref<8388608xf32, #tpu.memory_space<hbm>> -> memref<8388608xf32, #tpu.memory_space<hbm>>
      %dma_start3A_61 = tpu.memref_slice %arg22[%rem3A_33] : memref<8x!tpu.dma_semaphore, #tpu.memory_space<semaphore_mem>> -> memref<1x!tpu.dma_semaphore, #tpu.memory_space<semaphore_mem>>
      %dma_start3A_62 = tpu.memref_squeeze %dma_start3A_61 : memref<1x!tpu.dma_semaphore, #tpu.memory_space<semaphore_mem>> -> memref<!tpu.dma_semaphore, #tpu.memory_space<semaphore_mem>>
      tpu.enqueue_indirect_dma source(%dma_start3A_60 : memref<8388608xf32, #tpu.memory_space<hbm>>) target(%dma_start3A_57 : memref<128xf32, #tpu.memory_space<vmem>>) offsets(%dma_start3A_58 : memref<128xi32, #tpu.memory_space<vmem>>) semaphore(%dma_start3A_62 : memref<!tpu.dma_semaphore, #tpu.memory_space<semaphore_mem>>)
      %mul3A_63 = arith.constant 128 : i32
      %mul3A_64 = arith.muli %scan3A_29, %mul3A_63 : i32
      %mul3A_65 = arith.constant 128 : i32
      %mul3A_66 = arith.muli %scan3A_29, %mul3A_65 : i32
      %dma_start3A_67 = tpu.memref_slice %arg21[%mul3A_66] : memref<8192xf32, #tpu.memory_space<vmem>> -> memref<128xf32, #tpu.memory_space<vmem>>
      %dma_start3A_68 = tpu.memref_slice %arg17[%mul3A_64] : memref<8192xi32, #tpu.memory_space<vmem>> -> memref<128xi32, #tpu.memory_space<vmem>>
      %dma_start3A_69 = arith.constant 0 : i32
      %dma_start3A_70 = tpu.memref_slice %arg5[%dma_start3A_69] : memref<8388608xf32, #tpu.memory_space<hbm>> -> memref<8388608xf32, #tpu.memory_space<hbm>>
      %dma_start3A_71 = tpu.memref_slice %arg22[%rem3A_33] : memref<8x!tpu.dma_semaphore, #tpu.memory_space<semaphore_mem>> -> memref<1x!tpu.dma_semaphore, #tpu.memory_space<semaphore_mem>>
      %dma_start3A_72 = tpu.memref_squeeze %dma_start3A_71 : memref<1x!tpu.dma_semaphore, #tpu.memory_space<semaphore_mem>> -> memref<!tpu.dma_semaphore, #tpu.memory_space<semaphore_mem>>
      tpu.enqueue_indirect_dma source(%dma_start3A_70 : memref<8388608xf32, #tpu.memory_space<hbm>>) target(%dma_start3A_67 : memref<128xf32, #tpu.memory_space<vmem>>) offsets(%dma_start3A_68 : memref<128xi32, #tpu.memory_space<vmem>>) semaphore(%dma_start3A_72 : memref<!tpu.dma_semaphore, #tpu.memory_space<semaphore_mem>>)
      %scan3A_73 = arith.constant 0 : i32
      scf.yield %scan3A_73 : i32
    }
    %scan3A_11 = arith.constant 8 : i32
    "tpu.trace_stop"() : () -> ()
    "tpu.trace_start"() <{level = 10 : i32, message = "steady"}> : () -> ()
    %scan3A_12 = arith.constant 1.280000e+02 : f32
    %scan3A_13 = arith.constant 6.400000e+01 : f32
    %scan3A_14 = arith.constant 5.000000e-01 : f32
    %scan3A_15 = arith.constant 0 : i32
    %scan3A_16 = arith.constant 0 : i32
    %scan3A_17 = arith.constant 56 : i32
    %scan3A_18 = arith.addi %scan3A_16, %scan3A_17 : i32
    %scan3A_19 = arith.constant 1 : i32
    %scan3A_20 = scf.for %scan3A_29 = %scan3A_16 to %scan3A_18 step %scan3A_19 iter_args(%scan3A_30 = %scan3A_15) -> (i32)  : i32 {
      %add3A_31 = arith.constant 8 : i32
      %add3A_32 = arith.addi %scan3A_29, %add3A_31 : i32
      %parallel_loop3A = arith.constant 0 : i32
      %parallel_loop3A_33 = arith.constant 8 : i32
      %parallel_loop3A_34 = arith.constant 1 : i32
      scf.for %parallel_loop3A_122 = %parallel_loop3A to %parallel_loop3A_33 step %parallel_loop3A_34  : i32 {
        %parallel_loop3A_123 = arith.constant 128 : i32
        %parallel_loop3A_124 = arith.muli %add3A_32, %parallel_loop3A_123 : i32
        %parallel_loop3A_125 = arith.constant 16 : i32
        %parallel_loop3A_126 = arith.muli %parallel_loop3A_122, %parallel_loop3A_125 : i32
        %parallel_loop3A_127 = arith.addi %parallel_loop3A_124, %parallel_loop3A_126 : i32
        %parallel_loop3A_128 = arith.index_cast %parallel_loop3A_127 : i32 to index
        %parallel_loop3A_129 = tpu.vector_load %arg10[%parallel_loop3A_128] {strides = array<i32>} : memref<8192xf32, #tpu.memory_space<vmem>>, vector<16xf32>,
        %parallel_loop3A_130 = arith.index_cast %parallel_loop3A_127 : i32 to index
        %parallel_loop3A_131 = tpu.vector_load %arg11[%parallel_loop3A_130] {strides = array<i32>} : memref<8192xf32, #tpu.memory_space<vmem>>, vector<16xf32>,
        %parallel_loop3A_132 = arith.index_cast %parallel_loop3A_127 : i32 to index
        %parallel_loop3A_133 = tpu.vector_load %arg12[%parallel_loop3A_132] {strides = array<i32>} : memref<8192xf32, #tpu.memory_space<vmem>>, vector<16xf32>,
        %parallel_loop3A_134 = vector.broadcast %scan3A_12 : f32 to vector<16xf32>
        %parallel_loop3A_135 = arith.mulf %parallel_loop3A_129, %parallel_loop3A_134 : vector<16xf32>
        %parallel_loop3A_136 = vector.broadcast %scan3A_13 : f32 to vector<16xf32>
        %parallel_loop3A_137 = arith.addf %parallel_loop3A_135, %parallel_loop3A_136 : vector<16xf32>
        %parallel_loop3A_138 = arith.fptosi %parallel_loop3A_137 : vector<16xf32> to vector<16xi32>
        %parallel_loop3A_139 = arith.constant 0 : i32
        %parallel_loop3A_140 = arith.constant 127 : i32
        %parallel_loop3A_141 = vector.broadcast %parallel_loop3A_139 : i32 to vector<16xi32>
        %parallel_loop3A_142 = arith.maxsi %parallel_loop3A_141, %parallel_loop3A_138 : vector<16xi32>
        %parallel_loop3A_143 = vector.broadcast %parallel_loop3A_140 : i32 to vector<16xi32>
        %parallel_loop3A_144 = arith.minsi %parallel_loop3A_143, %parallel_loop3A_142 : vector<16xi32>
        %parallel_loop3A_145 = vector.broadcast %scan3A_12 : f32 to vector<16xf32>
        %parallel_loop3A_146 = arith.mulf %parallel_loop3A_131, %parallel_loop3A_145 : vector<16xf32>
        %parallel_loop3A_147 = vector.broadcast %scan3A_13 : f32 to vector<16xf32>
        %parallel_loop3A_148 = arith.addf %parallel_loop3A_146, %parallel_loop3A_147 : vector<16xf32>
        %parallel_loop3A_149 = arith.fptosi %parallel_loop3A_148 : vector<16xf32> to vector<16xi32>
        %parallel_loop3A_150 = arith.constant 0 : i32
        %parallel_loop3A_151 = arith.constant 127 : i32
        %parallel_loop3A_152 = vector.broadcast %parallel_loop3A_150 : i32 to vector<16xi32>
        %parallel_loop3A_153 = arith.maxsi %parallel_loop3A_152, %parallel_loop3A_149 : vector<16xi32>
        %parallel_loop3A_154 = vector.broadcast %parallel_loop3A_151 : i32 to vector<16xi32>
        %parallel_loop3A_155 = arith.minsi %parallel_loop3A_154, %parallel_loop3A_153 : vector<16xi32>
        %parallel_loop3A_156 = vector.broadcast %scan3A_12 : f32 to vector<16xf32>
        %parallel_loop3A_157 = arith.mulf %parallel_loop3A_133, %parallel_loop3A_156 : vector<16xf32>
        %parallel_loop3A_158 = vector.broadcast %scan3A_13 : f32 to vector<16xf32>
        %parallel_loop3A_159 = arith.addf %parallel_loop3A_157, %parallel_loop3A_158 : vector<16xf32>
        %parallel_loop3A_160 = arith.fptosi %parallel_loop3A_159 : vector<16xf32> to vector<16xi32>
        %parallel_loop3A_161 = arith.constant 0 : i32
        %parallel_loop3A_162 = arith.constant 127 : i32
        %parallel_loop3A_163 = vector.broadcast %parallel_loop3A_161 : i32 to vector<16xi32>
        %parallel_loop3A_164 = arith.maxsi %parallel_loop3A_163, %parallel_loop3A_160 : vector<16xi32>
        %parallel_loop3A_165 = vector.broadcast %parallel_loop3A_162 : i32 to vector<16xi32>
        %parallel_loop3A_166 = arith.minsi %parallel_loop3A_165, %parallel_loop3A_164 : vector<16xi32>
        %parallel_loop3A_167 = arith.constant 128 : i32
        %parallel_loop3A_168 = vector.broadcast %parallel_loop3A_167 : i32 to vector<16xi32>
        %parallel_loop3A_169 = arith.muli %parallel_loop3A_144, %parallel_loop3A_168 : vector<16xi32>
        %parallel_loop3A_170 = arith.addi %parallel_loop3A_169, %parallel_loop3A_155 : vector<16xi32>
        %parallel_loop3A_171 = arith.constant 9 : i32
        %parallel_loop3A_172 = vector.broadcast %parallel_loop3A_171 : i32 to vector<16xi32>
        %parallel_loop3A_173 = arith.shli %parallel_loop3A_170, %parallel_loop3A_172 : vector<16xi32>
        %parallel_loop3A_174 = arith.addi %parallel_loop3A_173, %parallel_loop3A_166 : vector<16xi32>
        %parallel_loop3A_175 = arith.index_cast %parallel_loop3A_127 : i32 to index
        %parallel_loop3A_176 = tpu.vector_load %arg14[%parallel_loop3A_175] {strides = array<i32>} : memref<8192xi32, #tpu.memory_space<vmem>>, vector<16xi32>,
        tpu.vector_store %arg14[%parallel_loop3A_175], %parallel_loop3A_174 {strides = array<i32>} : memref<8192xi32, #tpu.memory_space<vmem>>, vector<16xi32>,
        %parallel_loop3A_177 = arith.constant 128 : i32
        %parallel_loop3A_178 = vector.broadcast %parallel_loop3A_177 : i32 to vector<16xi32>
        %parallel_loop3A_179 = arith.addi %parallel_loop3A_174, %parallel_loop3A_178 : vector<16xi32>
        %parallel_loop3A_180 = arith.index_cast %parallel_loop3A_127 : i32 to index
        %parallel_loop3A_181 = tpu.vector_load %arg15[%parallel_loop3A_180] {strides = array<i32>} : memref<8192xi32, #tpu.memory_space<vmem>>, vector<16xi32>,
        tpu.vector_store %arg15[%parallel_loop3A_180], %parallel_loop3A_179 {strides = array<i32>} : memref<8192xi32, #tpu.memory_space<vmem>>, vector<16xi32>,
        %parallel_loop3A_182 = arith.constant 256 : i32
        %parallel_loop3A_183 = vector.broadcast %parallel_loop3A_182 : i32 to vector<16xi32>
        %parallel_loop3A_184 = arith.addi %parallel_loop3A_174, %parallel_loop3A_183 : vector<16xi32>
        %parallel_loop3A_185 = arith.index_cast %parallel_loop3A_127 : i32 to index
        %parallel_loop3A_186 = tpu.vector_load %arg16[%parallel_loop3A_185] {strides = array<i32>} : memref<8192xi32, #tpu.memory_space<vmem>>, vector<16xi32>,
        tpu.vector_store %arg16[%parallel_loop3A_185], %parallel_loop3A_184 {strides = array<i32>} : memref<8192xi32, #tpu.memory_space<vmem>>, vector<16xi32>,
        %parallel_loop3A_187 = arith.constant 384 : i32
        %parallel_loop3A_188 = vector.broadcast %parallel_loop3A_187 : i32 to vector<16xi32>
        %parallel_loop3A_189 = arith.addi %parallel_loop3A_174, %parallel_loop3A_188 : vector<16xi32>
        %parallel_loop3A_190 = arith.index_cast %parallel_loop3A_127 : i32 to index
        %parallel_loop3A_191 = tpu.vector_load %arg17[%parallel_loop3A_190] {strides = array<i32>} : memref<8192xi32, #tpu.memory_space<vmem>>, vector<16xi32>,
        tpu.vector_store %arg17[%parallel_loop3A_190], %parallel_loop3A_189 {strides = array<i32>} : memref<8192xi32, #tpu.memory_space<vmem>>, vector<16xi32>,
        %parallel_loop3A_192 = math.absf %parallel_loop3A_129 : vector<16xf32>
        %parallel_loop3A_193 = vector.broadcast %scan3A_14 : f32 to vector<16xf32>
        %parallel_loop3A_194 = arith.cmpf olt, %parallel_loop3A_192, %parallel_loop3A_193 : vector<16xf32>
        %parallel_loop3A_195 = math.absf %parallel_loop3A_131 : vector<16xf32>
        %parallel_loop3A_196 = vector.broadcast %scan3A_14 : f32 to vector<16xf32>
        %parallel_loop3A_197 = arith.cmpf olt, %parallel_loop3A_195, %parallel_loop3A_196 : vector<16xf32>
        %parallel_loop3A_198 = arith.andi %parallel_loop3A_194, %parallel_loop3A_197 : vector<16xi1>
        %parallel_loop3A_199 = math.absf %parallel_loop3A_133 : vector<16xf32>
        %parallel_loop3A_200 = vector.broadcast %scan3A_14 : f32 to vector<16xf32>
        %parallel_loop3A_201 = arith.cmpf olt, %parallel_loop3A_199, %parallel_loop3A_200 : vector<16xf32>
        %parallel_loop3A_202 = arith.andi %parallel_loop3A_198, %parallel_loop3A_201 : vector<16xi1>
        %parallel_loop3A_203 = arith.constant 1.000000e+00 : f32
        %parallel_loop3A_204 = arith.constant 0.000000e+00 : f32
        %parallel_loop3A_205 = vector.broadcast %parallel_loop3A_203 : f32 to vector<16xf32>
        %parallel_loop3A_206 = vector.broadcast %parallel_loop3A_204 : f32 to vector<16xf32>
        %parallel_loop3A_207 = arith.select %parallel_loop3A_202, %parallel_loop3A_205, %parallel_loop3A_206 : vector<16xi1>, vector<16xf32>
        %parallel_loop3A_208 = arith.index_cast %parallel_loop3A_127 : i32 to index
        %parallel_loop3A_209 = tpu.vector_load %arg13[%parallel_loop3A_208] {strides = array<i32>} : memref<8192xf32, #tpu.memory_space<vmem>>, vector<16xf32>,
        tpu.vector_store %arg13[%parallel_loop3A_208], %parallel_loop3A_207 {strides = array<i32>} : memref<8192xf32, #tpu.memory_space<vmem>>, vector<16xf32>,
      } {sc.loop_unroll_factor = 2 : i64, sc.parallel_access}
      %rem3A = arith.constant 8 : i32
      %rem3A_35 = arith.remsi %scan3A_29, %rem3A : i32
      %mul3A_36 = arith.constant 128 : i32
      %mul3A_37 = arith.muli %scan3A_29, %mul3A_36 : i32
      %mul3A_38 = arith.constant 128 : i32
      %mul3A_39 = arith.muli %scan3A_29, %mul3A_38 : i32
      %dma_wait3A = tpu.memref_slice %arg18[%mul3A_39] : memref<8192xf32, #tpu.memory_space<vmem>> -> memref<128xf32, #tpu.memory_space<vmem>>
      %dma_wait3A_40 = tpu.memref_slice %arg14[%mul3A_37] : memref<8192xi32, #tpu.memory_space<vmem>> -> memref<128xi32, #tpu.memory_space<vmem>>
      %dma_wait3A_41 = arith.constant 0 : i32
      %dma_wait3A_42 = tpu.memref_slice %arg5[%dma_wait3A_41] : memref<8388608xf32, #tpu.memory_space<hbm>> -> memref<8388608xf32, #tpu.memory_space<hbm>>
      %dma_wait3A_43 = tpu.memref_slice %arg22[%rem3A_35] : memref<8x!tpu.dma_semaphore, #tpu.memory_space<semaphore_mem>> -> memref<1x!tpu.dma_semaphore, #tpu.memory_space<semaphore_mem>>
      %dma_wait3A_44 = tpu.memref_squeeze %dma_wait3A_43 : memref<1x!tpu.dma_semaphore, #tpu.memory_space<semaphore_mem>> -> memref<!tpu.dma_semaphore, #tpu.memory_space<semaphore_mem>>
      tpu.wait_indirect_dma semaphore(%dma_wait3A_44 : memref<!tpu.dma_semaphore, #tpu.memory_space<semaphore_mem>>) src(%dma_wait3A_42 : memref<8388608xf32, #tpu.memory_space<hbm>>) dst(%dma_wait3A : memref<128xf32, #tpu.memory_space<vmem>>)
      %mul3A_45 = arith.constant 128 : i32
      %mul3A_46 = arith.muli %scan3A_29, %mul3A_45 : i32
      %mul3A_47 = arith.constant 128 : i32
      %mul3A_48 = arith.muli %scan3A_29, %mul3A_47 : i32
      %dma_wait3A_49 = tpu.memref_slice %arg19[%mul3A_48] : memref<8192xf32, #tpu.memory_space<vmem>> -> memref<128xf32, #tpu.memory_space<vmem>>
      %dma_wait3A_50 = tpu.memref_slice %arg15[%mul3A_46] : memref<8192xi32, #tpu.memory_space<vmem>> -> memref<128xi32, #tpu.memory_space<vmem>>
      %dma_wait3A_51 = arith.constant 0 : i32
      %dma_wait3A_52 = tpu.memref_slice %arg5[%dma_wait3A_51] : memref<8388608xf32, #tpu.memory_space<hbm>> -> memref<8388608xf32, #tpu.memory_space<hbm>>
      %dma_wait3A_53 = tpu.memref_slice %arg22[%rem3A_35] : memref<8x!tpu.dma_semaphore, #tpu.memory_space<semaphore_mem>> -> memref<1x!tpu.dma_semaphore, #tpu.memory_space<semaphore_mem>>
      %dma_wait3A_54 = tpu.memref_squeeze %dma_wait3A_53 : memref<1x!tpu.dma_semaphore, #tpu.memory_space<semaphore_mem>> -> memref<!tpu.dma_semaphore, #tpu.memory_space<semaphore_mem>>
      tpu.wait_indirect_dma semaphore(%dma_wait3A_54 : memref<!tpu.dma_semaphore, #tpu.memory_space<semaphore_mem>>) src(%dma_wait3A_52 : memref<8388608xf32, #tpu.memory_space<hbm>>) dst(%dma_wait3A_49 : memref<128xf32, #tpu.memory_space<vmem>>)
      %mul3A_55 = arith.constant 128 : i32
      %mul3A_56 = arith.muli %scan3A_29, %mul3A_55 : i32
      %mul3A_57 = arith.constant 128 : i32
      %mul3A_58 = arith.muli %scan3A_29, %mul3A_57 : i32
      %dma_wait3A_59 = tpu.memref_slice %arg20[%mul3A_58] : memref<8192xf32, #tpu.memory_space<vmem>> -> memref<128xf32, #tpu.memory_space<vmem>>
      %dma_wait3A_60 = tpu.memref_slice %arg16[%mul3A_56] : memref<8192xi32, #tpu.memory_space<vmem>> -> memref<128xi32, #tpu.memory_space<vmem>>
      %dma_wait3A_61 = arith.constant 0 : i32
      %dma_wait3A_62 = tpu.memref_slice %arg5[%dma_wait3A_61] : memref<8388608xf32, #tpu.memory_space<hbm>> -> memref<8388608xf32, #tpu.memory_space<hbm>>
      %dma_wait3A_63 = tpu.memref_slice %arg22[%rem3A_35] : memref<8x!tpu.dma_semaphore, #tpu.memory_space<semaphore_mem>> -> memref<1x!tpu.dma_semaphore, #tpu.memory_space<semaphore_mem>>
      %dma_wait3A_64 = tpu.memref_squeeze %dma_wait3A_63 : memref<1x!tpu.dma_semaphore, #tpu.memory_space<semaphore_mem>> -> memref<!tpu.dma_semaphore, #tpu.memory_space<semaphore_mem>>
      tpu.wait_indirect_dma semaphore(%dma_wait3A_64 : memref<!tpu.dma_semaphore, #tpu.memory_space<semaphore_mem>>) src(%dma_wait3A_62 : memref<8388608xf32, #tpu.memory_space<hbm>>) dst(%dma_wait3A_59 : memref<128xf32, #tpu.memory_space<vmem>>)
      %mul3A_65 = arith.constant 128 : i32
      %mul3A_66 = arith.muli %scan3A_29, %mul3A_65 : i32
      %mul3A_67 = arith.constant 128 : i32
      %mul3A_68 = arith.muli %scan3A_29, %mul3A_67 : i32
      %dma_wait3A_69 = tpu.memref_slice %arg21[%mul3A_68] : memref<8192xf32, #tpu.memory_space<vmem>> -> memref<128xf32, #tpu.memory_space<vmem>>
      %dma_wait3A_70 = tpu.memref_slice %arg17[%mul3A_66] : memref<8192xi32, #tpu.memory_space<vmem>> -> memref<128xi32, #tpu.memory_space<vmem>>
      %dma_wait3A_71 = arith.constant 0 : i32
      %dma_wait3A_72 = tpu.memref_slice %arg5[%dma_wait3A_71] : memref<8388608xf32, #tpu.memory_space<hbm>> -> memref<8388608xf32, #tpu.memory_space<hbm>>
      %dma_wait3A_73 = tpu.memref_slice %arg22[%rem3A_35] : memref<8x!tpu.dma_semaphore, #tpu.memory_space<semaphore_mem>> -> memref<1x!tpu.dma_semaphore, #tpu.memory_space<semaphore_mem>>
      %dma_wait3A_74 = tpu.memref_squeeze %dma_wait3A_73 : memref<1x!tpu.dma_semaphore, #tpu.memory_space<semaphore_mem>> -> memref<!tpu.dma_semaphore, #tpu.memory_space<semaphore_mem>>
      tpu.wait_indirect_dma semaphore(%dma_wait3A_74 : memref<!tpu.dma_semaphore, #tpu.memory_space<semaphore_mem>>) src(%dma_wait3A_72 : memref<8388608xf32, #tpu.memory_space<hbm>>) dst(%dma_wait3A_69 : memref<128xf32, #tpu.memory_space<vmem>>)
      %add3A_75 = arith.constant 8 : i32
      %add3A_76 = arith.addi %scan3A_29, %add3A_75 : i32
      %rem3A_77 = arith.constant 8 : i32
      %rem3A_78 = arith.remsi %add3A_76, %rem3A_77 : i32
      %mul3A_79 = arith.constant 128 : i32
      %mul3A_80 = arith.muli %add3A_76, %mul3A_79 : i32
      %mul3A_81 = arith.constant 128 : i32
      %mul3A_82 = arith.muli %add3A_76, %mul3A_81 : i32
      %dma_start3A = tpu.memref_slice %arg18[%mul3A_82] : memref<8192xf32, #tpu.memory_space<vmem>> -> memref<128xf32, #tpu.memory_space<vmem>>
      %dma_start3A_83 = tpu.memref_slice %arg14[%mul3A_80] : memref<8192xi32, #tpu.memory_space<vmem>> -> memref<128xi32, #tpu.memory_space<vmem>>
      %dma_start3A_84 = arith.constant 0 : i32
      %dma_start3A_85 = tpu.memref_slice %arg5[%dma_start3A_84] : memref<8388608xf32, #tpu.memory_space<hbm>> -> memref<8388608xf32, #tpu.memory_space<hbm>>
      %dma_start3A_86 = tpu.memref_slice %arg22[%rem3A_78] : memref<8x!tpu.dma_semaphore, #tpu.memory_space<semaphore_mem>> -> memref<1x!tpu.dma_semaphore, #tpu.memory_space<semaphore_mem>>
      %dma_start3A_87 = tpu.memref_squeeze %dma_start3A_86 : memref<1x!tpu.dma_semaphore, #tpu.memory_space<semaphore_mem>> -> memref<!tpu.dma_semaphore, #tpu.memory_space<semaphore_mem>>
      tpu.enqueue_indirect_dma source(%dma_start3A_85 : memref<8388608xf32, #tpu.memory_space<hbm>>) target(%dma_start3A : memref<128xf32, #tpu.memory_space<vmem>>) offsets(%dma_start3A_83 : memref<128xi32, #tpu.memory_space<vmem>>) semaphore(%dma_start3A_87 : memref<!tpu.dma_semaphore, #tpu.memory_space<semaphore_mem>>)
      %mul3A_88 = arith.constant 128 : i32
      %mul3A_89 = arith.muli %add3A_76, %mul3A_88 : i32
      %mul3A_90 = arith.constant 128 : i32
      %mul3A_91 = arith.muli %add3A_76, %mul3A_90 : i32
      %dma_start3A_92 = tpu.memref_slice %arg19[%mul3A_91] : memref<8192xf32, #tpu.memory_space<vmem>> -> memref<128xf32, #tpu.memory_space<vmem>>
      %dma_start3A_93 = tpu.memref_slice %arg15[%mul3A_89] : memref<8192xi32, #tpu.memory_space<vmem>> -> memref<128xi32, #tpu.memory_space<vmem>>
      %dma_start3A_94 = arith.constant 0 : i32
      %dma_start3A_95 = tpu.memref_slice %arg5[%dma_start3A_94] : memref<8388608xf32, #tpu.memory_space<hbm>> -> memref<8388608xf32, #tpu.memory_space<hbm>>
      %dma_start3A_96 = tpu.memref_slice %arg22[%rem3A_78] : memref<8x!tpu.dma_semaphore, #tpu.memory_space<semaphore_mem>> -> memref<1x!tpu.dma_semaphore, #tpu.memory_space<semaphore_mem>>
      %dma_start3A_97 = tpu.memref_squeeze %dma_start3A_96 : memref<1x!tpu.dma_semaphore, #tpu.memory_space<semaphore_mem>> -> memref<!tpu.dma_semaphore, #tpu.memory_space<semaphore_mem>>
      tpu.enqueue_indirect_dma source(%dma_start3A_95 : memref<8388608xf32, #tpu.memory_space<hbm>>) target(%dma_start3A_92 : memref<128xf32, #tpu.memory_space<vmem>>) offsets(%dma_start3A_93 : memref<128xi32, #tpu.memory_space<vmem>>) semaphore(%dma_start3A_97 : memref<!tpu.dma_semaphore, #tpu.memory_space<semaphore_mem>>)
      %mul3A_98 = arith.constant 128 : i32
      %mul3A_99 = arith.muli %add3A_76, %mul3A_98 : i32
      %mul3A_100 = arith.constant 128 : i32
      %mul3A_101 = arith.muli %add3A_76, %mul3A_100 : i32
      %dma_start3A_102 = tpu.memref_slice %arg20[%mul3A_101] : memref<8192xf32, #tpu.memory_space<vmem>> -> memref<128xf32, #tpu.memory_space<vmem>>
      %dma_start3A_103 = tpu.memref_slice %arg16[%mul3A_99] : memref<8192xi32, #tpu.memory_space<vmem>> -> memref<128xi32, #tpu.memory_space<vmem>>
      %dma_start3A_104 = arith.constant 0 : i32
      %dma_start3A_105 = tpu.memref_slice %arg5[%dma_start3A_104] : memref<8388608xf32, #tpu.memory_space<hbm>> -> memref<8388608xf32, #tpu.memory_space<hbm>>
      %dma_start3A_106 = tpu.memref_slice %arg22[%rem3A_78] : memref<8x!tpu.dma_semaphore, #tpu.memory_space<semaphore_mem>> -> memref<1x!tpu.dma_semaphore, #tpu.memory_space<semaphore_mem>>
      %dma_start3A_107 = tpu.memref_squeeze %dma_start3A_106 : memref<1x!tpu.dma_semaphore, #tpu.memory_space<semaphore_mem>> -> memref<!tpu.dma_semaphore, #tpu.memory_space<semaphore_mem>>
      tpu.enqueue_indirect_dma source(%dma_start3A_105 : memref<8388608xf32, #tpu.memory_space<hbm>>) target(%dma_start3A_102 : memref<128xf32, #tpu.memory_space<vmem>>) offsets(%dma_start3A_103 : memref<128xi32, #tpu.memory_space<vmem>>) semaphore(%dma_start3A_107 : memref<!tpu.dma_semaphore, #tpu.memory_space<semaphore_mem>>)
      %mul3A_108 = arith.constant 128 : i32
      %mul3A_109 = arith.muli %add3A_76, %mul3A_108 : i32
      %mul3A_110 = arith.constant 128 : i32
      %mul3A_111 = arith.muli %add3A_76, %mul3A_110 : i32
      %dma_start3A_112 = tpu.memref_slice %arg21[%mul3A_111] : memref<8192xf32, #tpu.memory_space<vmem>> -> memref<128xf32, #tpu.memory_space<vmem>>
      %dma_start3A_113 = tpu.memref_slice %arg17[%mul3A_109] : memref<8192xi32, #tpu.memory_space<vmem>> -> memref<128xi32, #tpu.memory_space<vmem>>
      %dma_start3A_114 = arith.constant 0 : i32
      %dma_start3A_115 = tpu.memref_slice %arg5[%dma_start3A_114] : memref<8388608xf32, #tpu.memory_space<hbm>> -> memref<8388608xf32, #tpu.memory_space<hbm>>
      %dma_start3A_116 = tpu.memref_slice %arg22[%rem3A_78] : memref<8x!tpu.dma_semaphore, #tpu.memory_space<semaphore_mem>> -> memref<1x!tpu.dma_semaphore, #tpu.memory_space<semaphore_mem>>
      %dma_start3A_117 = tpu.memref_squeeze %dma_start3A_116 : memref<1x!tpu.dma_semaphore, #tpu.memory_space<semaphore_mem>> -> memref<!tpu.dma_semaphore, #tpu.memory_space<semaphore_mem>>
      tpu.enqueue_indirect_dma source(%dma_start3A_115 : memref<8388608xf32, #tpu.memory_space<hbm>>) target(%dma_start3A_112 : memref<128xf32, #tpu.memory_space<vmem>>) offsets(%dma_start3A_113 : memref<128xi32, #tpu.memory_space<vmem>>) semaphore(%dma_start3A_117 : memref<!tpu.dma_semaphore, #tpu.memory_space<semaphore_mem>>)
      %parallel_loop3A_118 = arith.constant 0 : i32
      %parallel_loop3A_119 = arith.constant 8 : i32
      %parallel_loop3A_120 = arith.constant 1 : i32
      scf.for %parallel_loop3A_122 = %parallel_loop3A_118 to %parallel_loop3A_119 step %parallel_loop3A_120  : i32 {
        %parallel_loop3A_123 = arith.constant 128 : i32
        %parallel_loop3A_124 = arith.muli %scan3A_29, %parallel_loop3A_123 : i32
        %parallel_loop3A_125 = arith.constant 16 : i32
        %parallel_loop3A_126 = arith.muli %parallel_loop3A_122, %parallel_loop3A_125 : i32
        %parallel_loop3A_127 = arith.addi %parallel_loop3A_124, %parallel_loop3A_126 : i32
        %parallel_loop3A_128 = arith.index_cast %parallel_loop3A_127 : i32 to index
        %parallel_loop3A_129 = tpu.vector_load %arg13[%parallel_loop3A_128] {strides = array<i32>} : memref<8192xf32, #tpu.memory_space<vmem>>, vector<16xf32>,
        %parallel_loop3A_130 = arith.index_cast %parallel_loop3A_127 : i32 to index
        %parallel_loop3A_131 = tpu.vector_load %arg18[%parallel_loop3A_130] {strides = array<i32>} : memref<8192xf32, #tpu.memory_space<vmem>>, vector<16xf32>,
        %parallel_loop3A_132 = arith.mulf %parallel_loop3A_131, %parallel_loop3A_129 : vector<16xf32>
        %parallel_loop3A_133 = arith.index_cast %parallel_loop3A_127 : i32 to index
        %parallel_loop3A_134 = tpu.vector_load %arg19[%parallel_loop3A_133] {strides = array<i32>} : memref<8192xf32, #tpu.memory_space<vmem>>, vector<16xf32>,
        %parallel_loop3A_135 = arith.mulf %parallel_loop3A_134, %parallel_loop3A_129 : vector<16xf32>
        %parallel_loop3A_136 = arith.index_cast %parallel_loop3A_127 : i32 to index
        %parallel_loop3A_137 = tpu.vector_load %arg20[%parallel_loop3A_136] {strides = array<i32>} : memref<8192xf32, #tpu.memory_space<vmem>>, vector<16xf32>,
        %parallel_loop3A_138 = arith.mulf %parallel_loop3A_137, %parallel_loop3A_129 : vector<16xf32>
        %parallel_loop3A_139 = arith.index_cast %parallel_loop3A_127 : i32 to index
        %parallel_loop3A_140 = tpu.vector_load %arg21[%parallel_loop3A_139] {strides = array<i32>} : memref<8192xf32, #tpu.memory_space<vmem>>, vector<16xf32>,
        %parallel_loop3A_141 = arith.mulf %parallel_loop3A_140, %parallel_loop3A_129 : vector<16xf32>
        %parallel_loop3A_142 = arith.constant 0.000000e+00 : f32
        %parallel_loop3A_143 = vector.broadcast %parallel_loop3A_142 : f32 to vector<16xf32>
        %parallel_loop3A_144 = arith.subf %parallel_loop3A_143, %parallel_loop3A_132 : vector<16xf32>
        %parallel_loop3A_145 = math.exp %parallel_loop3A_144 : vector<16xf32>
        %parallel_loop3A_146 = arith.constant 1.000000e+00 : f32
        %parallel_loop3A_147 = vector.broadcast %parallel_loop3A_146 : f32 to vector<16xf32>
        %parallel_loop3A_148 = arith.addf %parallel_loop3A_147, %parallel_loop3A_145 : vector<16xf32>
        %parallel_loop3A_149 = arith.constant 1.000000e+00 : f32
        %parallel_loop3A_150 = vector.broadcast %parallel_loop3A_149 : f32 to vector<16xf32>
        %parallel_loop3A_151 = arith.divf %parallel_loop3A_150, %parallel_loop3A_148 : vector<16xf32>
        %parallel_loop3A_152 = arith.index_cast %parallel_loop3A_127 : i32 to index
        %parallel_loop3A_153 = tpu.vector_load %arg18[%parallel_loop3A_152] {strides = array<i32>} : memref<8192xf32, #tpu.memory_space<vmem>>, vector<16xf32>,
        tpu.vector_store %arg18[%parallel_loop3A_152], %parallel_loop3A_151 {strides = array<i32>} : memref<8192xf32, #tpu.memory_space<vmem>>, vector<16xf32>,
        %parallel_loop3A_154 = arith.constant 0.000000e+00 : f32
        %parallel_loop3A_155 = vector.broadcast %parallel_loop3A_154 : f32 to vector<16xf32>
        %parallel_loop3A_156 = arith.subf %parallel_loop3A_155, %parallel_loop3A_135 : vector<16xf32>
        %parallel_loop3A_157 = math.exp %parallel_loop3A_156 : vector<16xf32>
        %parallel_loop3A_158 = arith.constant 1.000000e+00 : f32
        %parallel_loop3A_159 = vector.broadcast %parallel_loop3A_158 : f32 to vector<16xf32>
        %parallel_loop3A_160 = arith.addf %parallel_loop3A_159, %parallel_loop3A_157 : vector<16xf32>
        %parallel_loop3A_161 = arith.constant 1.000000e+00 : f32
        %parallel_loop3A_162 = vector.broadcast %parallel_loop3A_161 : f32 to vector<16xf32>
        %parallel_loop3A_163 = arith.divf %parallel_loop3A_162, %parallel_loop3A_160 : vector<16xf32>
        %parallel_loop3A_164 = arith.index_cast %parallel_loop3A_127 : i32 to index
        %parallel_loop3A_165 = tpu.vector_load %arg19[%parallel_loop3A_164] {strides = array<i32>} : memref<8192xf32, #tpu.memory_space<vmem>>, vector<16xf32>,
        tpu.vector_store %arg19[%parallel_loop3A_164], %parallel_loop3A_163 {strides = array<i32>} : memref<8192xf32, #tpu.memory_space<vmem>>, vector<16xf32>,
        %parallel_loop3A_166 = arith.constant 0.000000e+00 : f32
        %parallel_loop3A_167 = vector.broadcast %parallel_loop3A_166 : f32 to vector<16xf32>
        %parallel_loop3A_168 = arith.subf %parallel_loop3A_167, %parallel_loop3A_138 : vector<16xf32>
        %parallel_loop3A_169 = math.exp %parallel_loop3A_168 : vector<16xf32>
        %parallel_loop3A_170 = arith.constant 1.000000e+00 : f32
        %parallel_loop3A_171 = vector.broadcast %parallel_loop3A_170 : f32 to vector<16xf32>
        %parallel_loop3A_172 = arith.addf %parallel_loop3A_171, %parallel_loop3A_169 : vector<16xf32>
        %parallel_loop3A_173 = arith.constant 1.000000e+00 : f32
        %parallel_loop3A_174 = vector.broadcast %parallel_loop3A_173 : f32 to vector<16xf32>
        %parallel_loop3A_175 = arith.divf %parallel_loop3A_174, %parallel_loop3A_172 : vector<16xf32>
        %parallel_loop3A_176 = arith.index_cast %parallel_loop3A_127 : i32 to index
        %parallel_loop3A_177 = tpu.vector_load %arg20[%parallel_loop3A_176] {strides = array<i32>} : memref<8192xf32, #tpu.memory_space<vmem>>, vector<16xf32>,
        tpu.vector_store %arg20[%parallel_loop3A_176], %parallel_loop3A_175 {strides = array<i32>} : memref<8192xf32, #tpu.memory_space<vmem>>, vector<16xf32>,
        %parallel_loop3A_178 = arith.constant 0.000000e+00 : f32
        %parallel_loop3A_179 = vector.broadcast %parallel_loop3A_178 : f32 to vector<16xf32>
        %parallel_loop3A_180 = arith.maximumf %parallel_loop3A_141, %parallel_loop3A_179 : vector<16xf32>
        %parallel_loop3A_181 = arith.index_cast %parallel_loop3A_127 : i32 to index
        %parallel_loop3A_182 = tpu.vector_load %arg21[%parallel_loop3A_181] {strides = array<i32>} : memref<8192xf32, #tpu.memory_space<vmem>>, vector<16xf32>,
        tpu.vector_store %arg21[%parallel_loop3A_181], %parallel_loop3A_180 {strides = array<i32>} : memref<8192xf32, #tpu.memory_space<vmem>>, vector<16xf32>,
      } {sc.loop_unroll_factor = 2 : i64, sc.parallel_access}
      %scan3A_121 = arith.constant 0 : i32
      scf.yield %scan3A_121 : i32
    }
    %scan3A_21 = arith.constant 56 : i32
    "tpu.trace_stop"() : () -> ()
    "tpu.trace_start"() <{level = 10 : i32, message = "epilogue"}> : () -> ()
    %scan3A_22 = arith.constant 0 : i32
    %scan3A_23 = arith.constant 56 : i32
    %scan3A_24 = arith.constant 8 : i32
    %scan3A_25 = arith.addi %scan3A_23, %scan3A_24 : i32
    %scan3A_26 = arith.constant 1 : i32
    %scan3A_27 = scf.for %scan3A_29 = %scan3A_23 to %scan3A_25 step %scan3A_26 iter_args(%scan3A_30 = %scan3A_22) -> (i32)  : i32 {
      %rem3A = arith.constant 8 : i32
      %rem3A_31 = arith.remsi %scan3A_29, %rem3A : i32
      %mul3A_32 = arith.constant 128 : i32
      %mul3A_33 = arith.muli %scan3A_29, %mul3A_32 : i32
      %mul3A_34 = arith.constant 128 : i32
      %mul3A_35 = arith.muli %scan3A_29, %mul3A_34 : i32
      %dma_wait3A = tpu.memref_slice %arg18[%mul3A_35] : memref<8192xf32, #tpu.memory_space<vmem>> -> memref<128xf32, #tpu.memory_space<vmem>>
      %dma_wait3A_36 = tpu.memref_slice %arg14[%mul3A_33] : memref<8192xi32, #tpu.memory_space<vmem>> -> memref<128xi32, #tpu.memory_space<vmem>>
      %dma_wait3A_37 = arith.constant 0 : i32
      %dma_wait3A_38 = tpu.memref_slice %arg5[%dma_wait3A_37] : memref<8388608xf32, #tpu.memory_space<hbm>> -> memref<8388608xf32, #tpu.memory_space<hbm>>
      %dma_wait3A_39 = tpu.memref_slice %arg22[%rem3A_31] : memref<8x!tpu.dma_semaphore, #tpu.memory_space<semaphore_mem>> -> memref<1x!tpu.dma_semaphore, #tpu.memory_space<semaphore_mem>>
      %dma_wait3A_40 = tpu.memref_squeeze %dma_wait3A_39 : memref<1x!tpu.dma_semaphore, #tpu.memory_space<semaphore_mem>> -> memref<!tpu.dma_semaphore, #tpu.memory_space<semaphore_mem>>
      tpu.wait_indirect_dma semaphore(%dma_wait3A_40 : memref<!tpu.dma_semaphore, #tpu.memory_space<semaphore_mem>>) src(%dma_wait3A_38 : memref<8388608xf32, #tpu.memory_space<hbm>>) dst(%dma_wait3A : memref<128xf32, #tpu.memory_space<vmem>>)
      %mul3A_41 = arith.constant 128 : i32
      %mul3A_42 = arith.muli %scan3A_29, %mul3A_41 : i32
      %mul3A_43 = arith.constant 128 : i32
      %mul3A_44 = arith.muli %scan3A_29, %mul3A_43 : i32
      %dma_wait3A_45 = tpu.memref_slice %arg19[%mul3A_44] : memref<8192xf32, #tpu.memory_space<vmem>> -> memref<128xf32, #tpu.memory_space<vmem>>
      %dma_wait3A_46 = tpu.memref_slice %arg15[%mul3A_42] : memref<8192xi32, #tpu.memory_space<vmem>> -> memref<128xi32, #tpu.memory_space<vmem>>
      %dma_wait3A_47 = arith.constant 0 : i32
      %dma_wait3A_48 = tpu.memref_slice %arg5[%dma_wait3A_47] : memref<8388608xf32, #tpu.memory_space<hbm>> -> memref<8388608xf32, #tpu.memory_space<hbm>>
      %dma_wait3A_49 = tpu.memref_slice %arg22[%rem3A_31] : memref<8x!tpu.dma_semaphore, #tpu.memory_space<semaphore_mem>> -> memref<1x!tpu.dma_semaphore, #tpu.memory_space<semaphore_mem>>
      %dma_wait3A_50 = tpu.memref_squeeze %dma_wait3A_49 : memref<1x!tpu.dma_semaphore, #tpu.memory_space<semaphore_mem>> -> memref<!tpu.dma_semaphore, #tpu.memory_space<semaphore_mem>>
      tpu.wait_indirect_dma semaphore(%dma_wait3A_50 : memref<!tpu.dma_semaphore, #tpu.memory_space<semaphore_mem>>) src(%dma_wait3A_48 : memref<8388608xf32, #tpu.memory_space<hbm>>) dst(%dma_wait3A_45 : memref<128xf32, #tpu.memory_space<vmem>>)
      %mul3A_51 = arith.constant 128 : i32
      %mul3A_52 = arith.muli %scan3A_29, %mul3A_51 : i32
      %mul3A_53 = arith.constant 128 : i32
      %mul3A_54 = arith.muli %scan3A_29, %mul3A_53 : i32
      %dma_wait3A_55 = tpu.memref_slice %arg20[%mul3A_54] : memref<8192xf32, #tpu.memory_space<vmem>> -> memref<128xf32, #tpu.memory_space<vmem>>
      %dma_wait3A_56 = tpu.memref_slice %arg16[%mul3A_52] : memref<8192xi32, #tpu.memory_space<vmem>> -> memref<128xi32, #tpu.memory_space<vmem>>
      %dma_wait3A_57 = arith.constant 0 : i32
      %dma_wait3A_58 = tpu.memref_slice %arg5[%dma_wait3A_57] : memref<8388608xf32, #tpu.memory_space<hbm>> -> memref<8388608xf32, #tpu.memory_space<hbm>>
      %dma_wait3A_59 = tpu.memref_slice %arg22[%rem3A_31] : memref<8x!tpu.dma_semaphore, #tpu.memory_space<semaphore_mem>> -> memref<1x!tpu.dma_semaphore, #tpu.memory_space<semaphore_mem>>
      %dma_wait3A_60 = tpu.memref_squeeze %dma_wait3A_59 : memref<1x!tpu.dma_semaphore, #tpu.memory_space<semaphore_mem>> -> memref<!tpu.dma_semaphore, #tpu.memory_space<semaphore_mem>>
      tpu.wait_indirect_dma semaphore(%dma_wait3A_60 : memref<!tpu.dma_semaphore, #tpu.memory_space<semaphore_mem>>) src(%dma_wait3A_58 : memref<8388608xf32, #tpu.memory_space<hbm>>) dst(%dma_wait3A_55 : memref<128xf32, #tpu.memory_space<vmem>>)
      %mul3A_61 = arith.constant 128 : i32
      %mul3A_62 = arith.muli %scan3A_29, %mul3A_61 : i32
      %mul3A_63 = arith.constant 128 : i32
      %mul3A_64 = arith.muli %scan3A_29, %mul3A_63 : i32
      %dma_wait3A_65 = tpu.memref_slice %arg21[%mul3A_64] : memref<8192xf32, #tpu.memory_space<vmem>> -> memref<128xf32, #tpu.memory_space<vmem>>
      %dma_wait3A_66 = tpu.memref_slice %arg17[%mul3A_62] : memref<8192xi32, #tpu.memory_space<vmem>> -> memref<128xi32, #tpu.memory_space<vmem>>
      %dma_wait3A_67 = arith.constant 0 : i32
      %dma_wait3A_68 = tpu.memref_slice %arg5[%dma_wait3A_67] : memref<8388608xf32, #tpu.memory_space<hbm>> -> memref<8388608xf32, #tpu.memory_space<hbm>>
      %dma_wait3A_69 = tpu.memref_slice %arg22[%rem3A_31] : memref<8x!tpu.dma_semaphore, #tpu.memory_space<semaphore_mem>> -> memref<1x!tpu.dma_semaphore, #tpu.memory_space<semaphore_mem>>
      %dma_wait3A_70 = tpu.memref_squeeze %dma_wait3A_69 : memref<1x!tpu.dma_semaphore, #tpu.memory_space<semaphore_mem>> -> memref<!tpu.dma_semaphore, #tpu.memory_space<semaphore_mem>>
      tpu.wait_indirect_dma semaphore(%dma_wait3A_70 : memref<!tpu.dma_semaphore, #tpu.memory_space<semaphore_mem>>) src(%dma_wait3A_68 : memref<8388608xf32, #tpu.memory_space<hbm>>) dst(%dma_wait3A_65 : memref<128xf32, #tpu.memory_space<vmem>>)
      %parallel_loop3A = arith.constant 0 : i32
      %parallel_loop3A_71 = arith.constant 8 : i32
      %parallel_loop3A_72 = arith.constant 1 : i32
      scf.for %parallel_loop3A_74 = %parallel_loop3A to %parallel_loop3A_71 step %parallel_loop3A_72  : i32 {
        %parallel_loop3A_75 = arith.constant 128 : i32
        %parallel_loop3A_76 = arith.muli %scan3A_29, %parallel_loop3A_75 : i32
        %parallel_loop3A_77 = arith.constant 16 : i32
        %parallel_loop3A_78 = arith.muli %parallel_loop3A_74, %parallel_loop3A_77 : i32
        %parallel_loop3A_79 = arith.addi %parallel_loop3A_76, %parallel_loop3A_78 : i32
        %parallel_loop3A_80 = arith.index_cast %parallel_loop3A_79 : i32 to index
        %parallel_loop3A_81 = tpu.vector_load %arg13[%parallel_loop3A_80] {strides = array<i32>} : memref<8192xf32, #tpu.memory_space<vmem>>, vector<16xf32>,
        %parallel_loop3A_82 = arith.index_cast %parallel_loop3A_79 : i32 to index
        %parallel_loop3A_83 = tpu.vector_load %arg18[%parallel_loop3A_82] {strides = array<i32>} : memref<8192xf32, #tpu.memory_space<vmem>>, vector<16xf32>,
        %parallel_loop3A_84 = arith.mulf %parallel_loop3A_83, %parallel_loop3A_81 : vector<16xf32>
        %parallel_loop3A_85 = arith.index_cast %parallel_loop3A_79 : i32 to index
        %parallel_loop3A_86 = tpu.vector_load %arg19[%parallel_loop3A_85] {strides = array<i32>} : memref<8192xf32, #tpu.memory_space<vmem>>, vector<16xf32>,
        %parallel_loop3A_87 = arith.mulf %parallel_loop3A_86, %parallel_loop3A_81 : vector<16xf32>
        %parallel_loop3A_88 = arith.index_cast %parallel_loop3A_79 : i32 to index
        %parallel_loop3A_89 = tpu.vector_load %arg20[%parallel_loop3A_88] {strides = array<i32>} : memref<8192xf32, #tpu.memory_space<vmem>>, vector<16xf32>,
        %parallel_loop3A_90 = arith.mulf %parallel_loop3A_89, %parallel_loop3A_81 : vector<16xf32>
        %parallel_loop3A_91 = arith.index_cast %parallel_loop3A_79 : i32 to index
        %parallel_loop3A_92 = tpu.vector_load %arg21[%parallel_loop3A_91] {strides = array<i32>} : memref<8192xf32, #tpu.memory_space<vmem>>, vector<16xf32>,
        %parallel_loop3A_93 = arith.mulf %parallel_loop3A_92, %parallel_loop3A_81 : vector<16xf32>
        %parallel_loop3A_94 = arith.constant 0.000000e+00 : f32
        %parallel_loop3A_95 = vector.broadcast %parallel_loop3A_94 : f32 to vector<16xf32>
        %parallel_loop3A_96 = arith.subf %parallel_loop3A_95, %parallel_loop3A_84 : vector<16xf32>
        %parallel_loop3A_97 = math.exp %parallel_loop3A_96 : vector<16xf32>
        %parallel_loop3A_98 = arith.constant 1.000000e+00 : f32
        %parallel_loop3A_99 = vector.broadcast %parallel_loop3A_98 : f32 to vector<16xf32>
        %parallel_loop3A_100 = arith.addf %parallel_loop3A_99, %parallel_loop3A_97 : vector<16xf32>
        %parallel_loop3A_101 = arith.constant 1.000000e+00 : f32
        %parallel_loop3A_102 = vector.broadcast %parallel_loop3A_101 : f32 to vector<16xf32>
        %parallel_loop3A_103 = arith.divf %parallel_loop3A_102, %parallel_loop3A_100 : vector<16xf32>
        %parallel_loop3A_104 = arith.index_cast %parallel_loop3A_79 : i32 to index
        %parallel_loop3A_105 = tpu.vector_load %arg18[%parallel_loop3A_104] {strides = array<i32>} : memref<8192xf32, #tpu.memory_space<vmem>>, vector<16xf32>,
        tpu.vector_store %arg18[%parallel_loop3A_104], %parallel_loop3A_103 {strides = array<i32>} : memref<8192xf32, #tpu.memory_space<vmem>>, vector<16xf32>,
        %parallel_loop3A_106 = arith.constant 0.000000e+00 : f32
        %parallel_loop3A_107 = vector.broadcast %parallel_loop3A_106 : f32 to vector<16xf32>
        %parallel_loop3A_108 = arith.subf %parallel_loop3A_107, %parallel_loop3A_87 : vector<16xf32>
        %parallel_loop3A_109 = math.exp %parallel_loop3A_108 : vector<16xf32>
        %parallel_loop3A_110 = arith.constant 1.000000e+00 : f32
        %parallel_loop3A_111 = vector.broadcast %parallel_loop3A_110 : f32 to vector<16xf32>
        %parallel_loop3A_112 = arith.addf %parallel_loop3A_111, %parallel_loop3A_109 : vector<16xf32>
        %parallel_loop3A_113 = arith.constant 1.000000e+00 : f32
        %parallel_loop3A_114 = vector.broadcast %parallel_loop3A_113 : f32 to vector<16xf32>
        %parallel_loop3A_115 = arith.divf %parallel_loop3A_114, %parallel_loop3A_112 : vector<16xf32>
        %parallel_loop3A_116 = arith.index_cast %parallel_loop3A_79 : i32 to index
        %parallel_loop3A_117 = tpu.vector_load %arg19[%parallel_loop3A_116] {strides = array<i32>} : memref<8192xf32, #tpu.memory_space<vmem>>, vector<16xf32>,
        tpu.vector_store %arg19[%parallel_loop3A_116], %parallel_loop3A_115 {strides = array<i32>} : memref<8192xf32, #tpu.memory_space<vmem>>, vector<16xf32>,
        %parallel_loop3A_118 = arith.constant 0.000000e+00 : f32
        %parallel_loop3A_119 = vector.broadcast %parallel_loop3A_118 : f32 to vector<16xf32>
        %parallel_loop3A_120 = arith.subf %parallel_loop3A_119, %parallel_loop3A_90 : vector<16xf32>
        %parallel_loop3A_121 = math.exp %parallel_loop3A_120 : vector<16xf32>
        %parallel_loop3A_122 = arith.constant 1.000000e+00 : f32
        %parallel_loop3A_123 = vector.broadcast %parallel_loop3A_122 : f32 to vector<16xf32>
        %parallel_loop3A_124 = arith.addf %parallel_loop3A_123, %parallel_loop3A_121 : vector<16xf32>
        %parallel_loop3A_125 = arith.constant 1.000000e+00 : f32
        %parallel_loop3A_126 = vector.broadcast %parallel_loop3A_125 : f32 to vector<16xf32>
        %parallel_loop3A_127 = arith.divf %parallel_loop3A_126, %parallel_loop3A_124 : vector<16xf32>
        %parallel_loop3A_128 = arith.index_cast %parallel_loop3A_79 : i32 to index
        %parallel_loop3A_129 = tpu.vector_load %arg20[%parallel_loop3A_128] {strides = array<i32>} : memref<8192xf32, #tpu.memory_space<vmem>>, vector<16xf32>,
        tpu.vector_store %arg20[%parallel_loop3A_128], %parallel_loop3A_127 {strides = array<i32>} : memref<8192xf32, #tpu.memory_space<vmem>>, vector<16xf32>,
        %parallel_loop3A_130 = arith.constant 0.000000e+00 : f32
        %parallel_loop3A_131 = vector.broadcast %parallel_loop3A_130 : f32 to vector<16xf32>
        %parallel_loop3A_132 = arith.maximumf %parallel_loop3A_93, %parallel_loop3A_131 : vector<16xf32>
        %parallel_loop3A_133 = arith.index_cast %parallel_loop3A_79 : i32 to index
        %parallel_loop3A_134 = tpu.vector_load %arg21[%parallel_loop3A_133] {strides = array<i32>} : memref<8192xf32, #tpu.memory_space<vmem>>, vector<16xf32>,
        tpu.vector_store %arg21[%parallel_loop3A_133], %parallel_loop3A_132 {strides = array<i32>} : memref<8192xf32, #tpu.memory_space<vmem>>, vector<16xf32>,
      } {sc.loop_unroll_factor = 2 : i64, sc.parallel_access}
      %scan3A_73 = arith.constant 0 : i32
      scf.yield %scan3A_73 : i32
    }
    %scan3A_28 = arith.constant 8 : i32
    "tpu.trace_stop"() : () -> ()
    "tpu.trace_start"() <{level = 10 : i32, message = "out"}> : () -> ()
    "tpu.region"() ({
      %run_scoped3A = tpu.sem_alloc : memref<!tpu.dma_semaphore, #tpu.memory_space<semaphore_mem>>
      %dma_start3A = tpu.memref_slice %arg6[%mul3A_2] : memref<262144xf32, #tpu.memory_space<hbm>> -> memref<8192xf32, #tpu.memory_space<hbm>>
      %dma_start3A_29 = tpu.memref_slice %arg6[%mul3A_2] : memref<262144xf32, #tpu.memory_space<hbm>> -> memref<8192xf32, #tpu.memory_space<hbm>>
      tpu.enqueue_dma source(%arg18 : memref<8192xf32, #tpu.memory_space<vmem>>) target(%dma_start3A_29 : memref<8192xf32, #tpu.memory_space<hbm>>) target_semaphore(%run_scoped3A : memref<!tpu.dma_semaphore, #tpu.memory_space<semaphore_mem>>)
      %dma_wait3A = tpu.memref_slice %arg6[%mul3A_2] : memref<262144xf32, #tpu.memory_space<hbm>> -> memref<8192xf32, #tpu.memory_space<hbm>>
      %dma_wait3A_30 = tpu.memref_slice %arg6[%mul3A_2] : memref<262144xf32, #tpu.memory_space<hbm>> -> memref<8192xf32, #tpu.memory_space<hbm>>
      tpu.wait_dma2 semaphore(%run_scoped3A : memref<!tpu.dma_semaphore, #tpu.memory_space<semaphore_mem>>) src(%arg18 : memref<8192xf32, #tpu.memory_space<vmem>>) dst(%dma_wait3A_30 : memref<8192xf32, #tpu.memory_space<hbm>>)
      tpu.yield
    }) : () -> ()
    "tpu.region"() ({
      %run_scoped3A = tpu.sem_alloc : memref<!tpu.dma_semaphore, #tpu.memory_space<semaphore_mem>>
      %dma_start3A = tpu.memref_slice %arg7[%mul3A_2] : memref<262144xf32, #tpu.memory_space<hbm>> -> memref<8192xf32, #tpu.memory_space<hbm>>
      %dma_start3A_29 = tpu.memref_slice %arg7[%mul3A_2] : memref<262144xf32, #tpu.memory_space<hbm>> -> memref<8192xf32, #tpu.memory_space<hbm>>
      tpu.enqueue_dma source(%arg19 : memref<8192xf32, #tpu.memory_space<vmem>>) target(%dma_start3A_29 : memref<8192xf32, #tpu.memory_space<hbm>>) target_semaphore(%run_scoped3A : memref<!tpu.dma_semaphore, #tpu.memory_space<semaphore_mem>>)
      %dma_wait3A = tpu.memref_slice %arg7[%mul3A_2] : memref<262144xf32, #tpu.memory_space<hbm>> -> memref<8192xf32, #tpu.memory_space<hbm>>
      %dma_wait3A_30 = tpu.memref_slice %arg7[%mul3A_2] : memref<262144xf32, #tpu.memory_space<hbm>> -> memref<8192xf32, #tpu.memory_space<hbm>>
      tpu.wait_dma2 semaphore(%run_scoped3A : memref<!tpu.dma_semaphore, #tpu.memory_space<semaphore_mem>>) src(%arg19 : memref<8192xf32, #tpu.memory_space<vmem>>) dst(%dma_wait3A_30 : memref<8192xf32, #tpu.memory_space<hbm>>)
      tpu.yield
    }) : () -> ()
    "tpu.region"() ({
      %run_scoped3A = tpu.sem_alloc : memref<!tpu.dma_semaphore, #tpu.memory_space<semaphore_mem>>
      %dma_start3A = tpu.memref_slice %arg8[%mul3A_2] : memref<262144xf32, #tpu.memory_space<hbm>> -> memref<8192xf32, #tpu.memory_space<hbm>>
      %dma_start3A_29 = tpu.memref_slice %arg8[%mul3A_2] : memref<262144xf32, #tpu.memory_space<hbm>> -> memref<8192xf32, #tpu.memory_space<hbm>>
      tpu.enqueue_dma source(%arg20 : memref<8192xf32, #tpu.memory_space<vmem>>) target(%dma_start3A_29 : memref<8192xf32, #tpu.memory_space<hbm>>) target_semaphore(%run_scoped3A : memref<!tpu.dma_semaphore, #tpu.memory_space<semaphore_mem>>)
      %dma_wait3A = tpu.memref_slice %arg8[%mul3A_2] : memref<262144xf32, #tpu.memory_space<hbm>> -> memref<8192xf32, #tpu.memory_space<hbm>>
      %dma_wait3A_30 = tpu.memref_slice %arg8[%mul3A_2] : memref<262144xf32, #tpu.memory_space<hbm>> -> memref<8192xf32, #tpu.memory_space<hbm>>
      tpu.wait_dma2 semaphore(%run_scoped3A : memref<!tpu.dma_semaphore, #tpu.memory_space<semaphore_mem>>) src(%arg20 : memref<8192xf32, #tpu.memory_space<vmem>>) dst(%dma_wait3A_30 : memref<8192xf32, #tpu.memory_space<hbm>>)
      tpu.yield
    }) : () -> ()
    "tpu.region"() ({
      %run_scoped3A = tpu.sem_alloc : memref<!tpu.dma_semaphore, #tpu.memory_space<semaphore_mem>>
      %dma_start3A = tpu.memref_slice %arg9[%mul3A_2] : memref<262144xf32, #tpu.memory_space<hbm>> -> memref<8192xf32, #tpu.memory_space<hbm>>
      %dma_start3A_29 = tpu.memref_slice %arg9[%mul3A_2] : memref<262144xf32, #tpu.memory_space<hbm>> -> memref<8192xf32, #tpu.memory_space<hbm>>
      tpu.enqueue_dma source(%arg21 : memref<8192xf32, #tpu.memory_space<vmem>>) target(%dma_start3A_29 : memref<8192xf32, #tpu.memory_space<hbm>>) target_semaphore(%run_scoped3A : memref<!tpu.dma_semaphore, #tpu.memory_space<semaphore_mem>>)
      %dma_wait3A = tpu.memref_slice %arg9[%mul3A_2] : memref<262144xf32, #tpu.memory_space<hbm>> -> memref<8192xf32, #tpu.memory_space<hbm>>
      %dma_wait3A_30 = tpu.memref_slice %arg9[%mul3A_2] : memref<262144xf32, #tpu.memory_space<hbm>> -> memref<8192xf32, #tpu.memory_space<hbm>>
      tpu.wait_dma2 semaphore(%run_scoped3A : memref<!tpu.dma_semaphore, #tpu.memory_space<semaphore_mem>>) src(%arg21 : memref<8192xf32, #tpu.memory_space<vmem>>) dst(%dma_wait3A_30 : memref<8192xf32, #tpu.memory_space<hbm>>)
      tpu.yield
    }) : () -> ()
    "tpu.trace_stop"() : () -> ()
    return
  }
}

</mosaic_0001>

<sc_bundles>
// kernel: _run.3.cloned.1.call-start
scs
__scs_entry_jumppad:
0x0: {  	(pc) =	sbr.rel $0x88, $3  }
0x1: {  	(tag) =	ssettag $0x0;
	lr =	simm.s32 $0x1  }
0x2: {  	[smem:$0x3F9D] =	sst lr;
	_ =	strace $0xD0000000  }
0x3: {  	_ = 	snop  }
0x4: {  	_ = 	snop  }
0x5: {  	_ = 	snop  }
0x6: {  	_ = 	snop  }
0x7: {  	_ = 	snop  }
__scs_overlays_trampoline_lowered:
0x8: {  	[smem:$0x3FAC] =	sst s0  }
0x9: {  	[smem:$0x3FAD] =	sst s1  }
0xa: {  	[smem:$0x3FAE] =	sst s2  }
0xb: {  	[smem:$0x3FAF] =	sst s3  }
0xc: {  	[smem:$0x3FB0] =	sst s4  }
0xd: {  	[smem:$0x3FB1] =	sst s5  }
0xe: {  	[smem:$0x3FB2] =	sst s6  }
0xf: {  	[smem:$0x3FB3] =	sst s7  }
0x10: {  	[smem:$0x3FB4] =	sst s8  }
0x11: {  	[smem:$0x3FB5] =	sst s9;
	s0 =	simm.s32 @!p0 $0x0  }
0x12: {  	s1 =	sld [smem:$0x3F9B];
	s0 =	simm.s32 @p0 $0x1  }
0x13: {  	[smem:$0x3FB6] =	sst s0;
	s0 =	simm.s32 @!p1 $0x0  }
0x14: {  	s2 =	sld [smem:$0x3F9A];
	s0 =	simm.s32 @p1 $0x1  }
0x15: {  	[smem:$0x3FB7] =	sst s0;
	s0 =	simm.s32 @!p2 $0x0  }
0x16: {  	s3 =	sld [smem:$0x3FDB];
	s0 =	simm.s32 @p2 $0x1  }
0x17: {  	s4 =	simm.s32 $0x1BF5;
	[smem:$0x3FB9] =	sst s0  }
0x18: {  	s0 =	sld [smem:$0x3F9C];
	_ =	swait.ge [sflag:s4], $0x0  }
0x19: {  	s7 =	sld [smem:$0x3F9D]  }
0x1a: {  	s8 =	sadd.s32 $0xFFFFE003, lr  }
0x1b: {  	s9 =	sadd.s32 $0xFFFFFEF7, lr;
	s5 =	simm.s32 $0xFFFFFFFF;
	p2 =	slt.u32 s8, $0xFFFFF086  }
0x1c: {  	p1 =	slt.u32 s9, $0xF7A;
	s5 =	simm.s32 @!p2 $0x0  }
0x1d: {  	s5 =	simm.s32 @p1 $0x1;
	p0 =	seq.s32 s7, s2  }
0x1e: {  	s7 =	smul.u32 @!p0 $0xF7A, s2;
	p2 =	seq.s32 @!p0 s5, $0x0  }
0x1f: {  	s9 =	smul.u32 $0xF7A, s1;
	s8 =	simm.s32 @!p0 $0x1BF5;
	p2 =	por !p2, p0  }
0x20: {  	[sflag:s8] =	ssyncset.s32 @!p0 $0xFFFFF086;
	s6 =	sadd.s32 @!p0 s3, s7;
	s7 =	simm.s32 @!p0 $0x108  }
0x21: {  	s3 =	sadd.s32 s3, s9;
	s6 =	sadd.s32 @!p0 $0x88, s6;
	s7 =	simm.s32 @p2 $0x1082  }
0x22: {  	[simem:s7], [sflag:s8] =	dma.local @!p0 [hbm:s6], $0xF7A  }
0x23: {  	s9 =	sor.u32 $0xD0000000, s2;
	s6 =	simm.s32 $0x108;
	_ =	swait.ge @!p0 [sflag:s8], $0x0  }
0x24: {  	s3 =	sadd.s32 $0x88, s3;
	s6 =	simm.s32 @!p1 $0x1082;
	[sflag:s4] =	ssyncset.s32 $0xFFFFF086  }
0x25: {  	[simem:s6], [sflag:s4] =	dma.local [hbm:s3], $0xF7A  }
0x26: {  	[smem:$0x3F9D] =	sst s1;
	(tag) =	ssettag s2;
	_ =	strace s9  }
0x27: {  	s1 =	sld [smem:$0x3FAD]  }
0x28: {  	s2 =	sld [smem:$0x3FAE]  }
0x29: {  	s4 =	sld [smem:$0x3FB0]  }
0x2a: {  	p0 =	seq.s32 s5, $0x0;
	s5 =	sld [smem:$0x3FB1]  }
0x2b: {  	s6 =	sld [smem:$0x3FB2]  }
0x2c: {  	s7 =	sld [smem:$0x3FB3]  }
0x2d: {  	s3 =	simm.s32 $0x108;
	s8 =	sld [smem:$0x3FB4]  }
0x2e: {  	s3 =	simm.s32 @!p0 $0x1082;
	s9 =	sld [smem:$0x3FB5]  }
0x2f: {  	lr =	sadd.s32 s0, s3;
	s0 =	sld [smem:$0x3FAC]  }
0x30: {  	s3 =	sld [smem:$0x3FAF]  }
0x31: {  	[smem:$0x3FB8] =	sst s10  }
0x32: {  	s10 =	sld [smem:$0x3FB6];
	_ =	sdelay $0x3  }
0x33: {  	p0 =	seq.s32 s10, $0x1;
	s10 =	sld [smem:$0x3FB8];
	_ =	sdelay $0x3  }
0x34: {  	[smem:$0x3FB8] =	sst s10  }
0x35: {  	s10 =	sld [smem:$0x3FB7];
	_ =	sdelay $0x3  }
0x36: {  	p1 =	seq.s32 s10, $0x1;
	s10 =	sld [smem:$0x3FB8];
	_ =	sdelay $0x3  }
0x37: {  	[smem:$0x3FB8] =	sst s10  }
0x38: {  	s10 =	sld [smem:$0x3FB9]  }
0x39: {  	_ = 	snop;
	(pc) =	sbr.ind lr, $3  }
0x3a: {  	_ = 	snop  }
0x3b: {  	_ = 	snop  }
0x3c: {  	p2 =	seq.s32 s10, $0x1;
	s10 =	sld [smem:$0x3FB8]  }
0x3d: {  	_ =	shalt  }
0x3e: {  	_ =	shalt  }
0x3f: {  	_ =	shalt  }
0x40: {  	_ =	shalt  }
0x41: {  	_ =	shalt  }
0x42: {  	_ =	shalt  }
0x43: {  	_ =	shalt  }
0x44: {  	_ =	shalt  }
0x45: {  	_ =	shalt  }
0x46: {  	_ =	shalt  }
0x47: {  	_ =	shalt  }
0x48: {  	_ =	shalt  }
0x49: {  	_ =	shalt  }
0x4a: {  	_ =	shalt  }
0x4b: {  	_ =	shalt  }
0x4c: {  	_ =	shalt  }
0x4d: {  	_ =	shalt  }
0x4e: {  	_ =	shalt  }
0x4f: {  	_ =	shalt  }
0x50: {  	_ =	shalt  }
0x51: {  	_ =	shalt  }
0x52: {  	_ =	shalt  }
0x53: {  	_ =	shalt  }
0x54: {  	_ =	shalt  }
0x55: {  	_ =	shalt  }
0x56: {  	_ =	shalt  }
0x57: {  	_ =	shalt  }
0x58: {  	_ =	shalt  }
0x59: {  	_ =	shalt  }
0x5a: {  	_ =	shalt  }
0x5b: {  	_ =	shalt  }
0x5c: {  	_ =	shalt  }
0x5d: {  	_ =	shalt  }
0x5e: {  	_ =	shalt  }
0x5f: {  	_ =	shalt  }
0x60: {  	_ =	shalt  }
0x61: {  	_ =	shalt  }
0x62: {  	_ =	shalt  }
0x63: {  	_ =	shalt  }
0x64: {  	_ =	shalt  }
0x65: {  	_ =	shalt  }
0x66: {  	_ =	shalt  }
0x67: {  	_ =	shalt  }
0x68: {  	_ =	shalt  }
0x69: {  	_ =	shalt  }
0x6a: {  	_ =	shalt  }
0x6b: {  	_ =	shalt  }
0x6c: {  	_ =	shalt  }
0x6d: {  	_ =	shalt  }
0x6e: {  	_ =	shalt  }
0x6f: {  	_ =	shalt  }
0x70: {  	_ =	shalt  }
0x71: {  	_ =	shalt  }
0x72: {  	_ =	shalt  }
0x73: {  	_ =	shalt  }
0x74: {  	_ =	shalt  }
0x75: {  	_ =	shalt  }
0x76: {  	_ =	shalt  }
0x77: {  	_ =	shalt  }
0x78: {  	_ =	shalt  }
0x79: {  	_ =	shalt  }
0x7a: {  	_ =	shalt  }
0x7b: {  	_ =	shalt  }
0x7c: {  	_ =	shalt  }
0x7d: {  	_ =	shalt  }
0x7e: {  	_ =	shalt  }
0x7f: {  	_ =	shalt  }
0x80: {  	_ =	shalt  }
0x81: {  	_ =	shalt  }
0x82: {  	_ =	shalt  }
0x83: {  	_ =	shalt  }
0x84: {  	_ =	shalt  }
0x85: {  	_ =	shalt  }
0x86: {  	_ =	shalt  }
0x87: {  	_ =	shalt  }
.Lfunc_end0:
.L_simem_size_0:
called_computation_lowered:
.L_overlay_start_0:
0x88: {  	s2 =	sld [smem:$0x3FD9]  }
0x89: {  	s3 =	sld [smem:$0x3FFE];
	_ =	sdelay $0x1  }
0x8a: {  	s1 =	srdreg.scid  }
0x8b: {  	s0 =	sand.u32 $0x1, s1  }
0x8c: {  	s15 =	sshll.u32 s0, $0xA;
	s2 =	sadd.s32 s3, s2  }
0x8d: {  	s2 =	sadd.s32 s2, s15  }
0x8e: {  	[smem:$0x3FC4] =	sst s2  }
0x8f: {  	_ = 	snop  }
0x90: {  	s2 =	sld [smem:$0x3FC9]  }
0x91: {  	s16 =	sld [smem:$0x3FD0]  }
0x92: {  	s4 =	sld [smem:$0x3FC8]  }
0x93: {  	s5 =	sld [smem:$0x3FC7]  }
0x94: {  	s7 =	simm.s32 $0xA;
	s8 =	simm.s32 $0x10;
	s6 =	sld [smem:$0x3FC6]  }
0x95: {  	[smem:s8], [sflag:s7] =	dma.local [hbm:s16], $0x1  }
0x96: {  	_ =	swait.eq [sflag:s7], $0x1  }
0x97: {  	s17 =	sld [smem:$0x10]  }
0x98: {  	s18 =	sld [smem:$0x11];
	[sflag:s7] =	ssyncset.done $0x0  }
0x99: {  	s9 =	sld [smem:$0x12];
	[sflag:s7] =	ssyncadd.s32 $0xFFFFFFFF  }
0x9a: {  	s19 =	sld [smem:$0x13];
	(tm) =	ssettm $0x1  }
0x9b: {  	s10 =	sld [smem:$0x3FFB];
	_ =	sdelay $0x3  }
0x9c: {  	_ =	strace s10  }
0x9d: {  	s10 =	sld [smem:$0x3FFC];
	_ =	sdelay $0x3  }
0x9e: {  	_ =	strace s10  }
0x9f: {  	s10 =	sld [smem:$0x3FFD];
	_ =	sdelay $0x3  }
0xa0: {  	_ =	strace s10  }
0xa1: {  	_ =	strace $0x8FFFFFFF  }
0xa2: {  	s20 =	sld [smem:$0x3FDB];
	_ =	sdelay $0x1  }
0xa3: {  	s11 =	simm.s32 $_scs_section_size  }
0xa4: {  	s12 =	simm.s32 $_size__tile_overlayer_lowered;
	s13 =	simm.s32 $_tile_overlayer_lowered  }
0xa5: {  	s23 =	simm.s32 $0x1BFF;
	s22 =	sshll.u32 s13, $0x1;
	s10 =	sadd.s32 s11, s20  }
0xa6: {  	s14 =	simm.s32 $0x0;
	s21 =	sshll.u32 s12, $0x1;
	s12 =	sadd.s32 s22, s10  }
0xa7: {  	[timem:s14], [sflag:s23] =	dma.local [hbm:s12], s21  }
0xa8: {  	_ =	swait.ge [sflag:s23], s21  }
0xa9: {  	s11 =	ssub.s32 $0x0, s21;
	[sflag:s23] =	ssyncset.done $0x0  }
0xaa: {  	[sflag:s23] =	ssyncadd.s32 s11;
	_ =	sdelay $0x1  }
0xab: {  	s24 =	simm.s32 $0x1B8B  }
0xac: {  	_ =	swait.ge [sflag:s24], $0x1  }
0xad: {  	[sflag:s24] =	ssyncset.done $0x0  }
0xae: {  	s25 =	simm.s32 $0x1B8E;
	[sflag:s24] =	ssyncadd.s32 $0xFFFFFFFF  }
0xaf: {  	s26 =	simm.s32 $execute0_lowered;
	[smem:$0x3FD2] =	sst s25  }
0xb0: {  	s11 =	sshll.u32 s26, $0x1;
	_ =	strace $0x80000046;
	[dreg:$0x1] =	wrdreg $0xFFFFFFFF  }
0xb1: {  	s28 =	simm.s32 $_size_execute0_lowered;
	s10 =	sadd.s32 s10, s11;
	[dreg:$0x0] =	wrdreg $0x0  }
0xb2: {  	s11 =	sshll.u32 s28, $0x1;
	[dreg:$0x2] =	wrdreg s10  }
0xb3: {  	[dreg:$0x3] =	wrdreg s11  }
0xb4: {  	[dreg:$0x4] =	wrdreg $0xC0  }
0xb5: {  	_ =	task [dreg:s14], $0x5FFFF  }
0xb6: {  	[dreg:$0x1] =	wrdreg $0xFFFFFFFF  }
0xb7: {  	[dreg:$0x0] =	wrdreg $0x60  }
0xb8: {  	[dreg:$0x2] =	wrdreg s2  }
0xb9: {  	[dreg:$0x3] =	wrdreg s4  }
0xba: {  	[dreg:$0x4] =	wrdreg s5  }
0xbb: {  	[dreg:$0x5] =	wrdreg s6  }
0xbc: {  	[dreg:$0x6] =	wrdreg s17  }
0xbd: {  	[dreg:$0x7] =	wrdreg s18  }
0xbe: {  	[dreg:$0x8] =	wrdreg s9  }
0xbf: {  	[dreg:$0x9] =	wrdreg s19  }
0xc0: {  	[dreg:$0xa] =	wrdreg $0x9  }
0xc1: {  	_ =	task.clear_ibuf [dreg:s14], $0xBFFFF;
	_ =	strace $0x90000046  }
0xc2: {  	s29 =	simm.s32 $0x9;
	_ =	strace $0x8000004D  }
0xc3: {  	_ =	swait.ge [sflag:s29], $0x1  }
0xc4: {  	[sflag:s29] =	ssyncadd.s32 $0xFFFFFFFF  }
0xc5: {  	_ =	strace $0x9000004D  }
0xc6: {  	_ =	sfence  }
0xc7: {  	s30 =	sld [smem:$0x0];
	_ =	sdelay $0x2  }
0xc8: {  	s31 =	sshll.u32 s1, $0xD;
	s1 =	sshrl.u32 s1, $0x2  }
0xc9: {  	s3 =	sand.u32 $0x4000, s31;
	s1 =	sadd.s32 s1, s30  }
0xca: {  	s0 =	sor.u32 s3, s0;
	s1 =	sshll.u32 s1, $0x11  }
0xcb: {  	s0 =	sor.u32 s1, s0  }
0xcc: {  	s0 =	sadd.s32 $0x8F2B, s0  }
0xcd: {  	[sflag:s0] =	ssyncadd.remote.s32 $0x1  }
0xce: {  	_ =	sfence.sel $0xFFFF  }
0xcf: {  	[dreg:$0x0] =	wrdreg $0xFFFFFFFF;
	(pc) =	sbr.abs _section_cstart, $3  }
0xd0: {  	[dreg:$0x1] =	wrdreg $0xFFFFFFFF  }
0xd1: {  	_ =	task.clear_ibuf [dreg:s14], $0x2FFFF;
	_ =	strace $0x9FFFFFFF  }
0xd2: {  	(tm) =	ssettm $0x7FFFFFFF  }
0xd3: {  	_ =	shalt  }
tec
execute0_lowered:
.L_overlay_start_1:
0x0: {  	(tag) =	ssettag $0x1  }
0x1: {  	s0 =	rddreg [dreg:$0x0]  }
0x2: {  	s2 =	rddreg [dreg:$0x1]  }
0x3: {  	s4 =	rddreg [dreg:$0x2]  }
0x4: {  	s1 =	rddreg [dreg:$0x3]  }
0x5: {  	s5 =	rddreg [dreg:$0x4]  }
0x6: {  	s6 =	rddreg [dreg:$0x5];
	s9 =	srdreg.scid  }
0x7: {  	s7 =	rddreg [dreg:$0x6];
	s11 =	stileid.u32;
	s9 =	sand.u32 $0x1, s9  }
0x8: {  	s11 =	sshll.u32 s11, $0xB;
	s10 =	ssub.s32 $0x2, s9;
	s9 =	sshll.u32 s9, $0xA  }
0x9: {  	s8 =	rddreg [dreg:$0x7];
	s3 =	simm.s32 $0x0;
	s9 =	sor.u32 s9, s11  }
0xa: {  	[smem:$0x7FF] =	sst s3;
	s0 =	sadd.s32 s0, s9  }
0xb: {  	_ =	strace $0x80000047;
	s25 =	sadd.s32 s2, s9;
	[dreg:$0x9] =	wrdreg s0  }
0xc: {  	s26 =	sadd.s32 s4, s9;
	[dreg:$0xa] =	wrdreg s25  }
0xd: {  	s15 =	simm.s32 $0x80;
	s28 =	sadd.s32 s5, s9;
	[dreg:$0xb] =	wrdreg s26  }
0xe: {  	s20 =	simm.s32 $0x0;
	s29 =	sadd.s32 s6, s9;
	[dreg:$0xc] =	wrdreg s28  }
0xf: {  	s12 =	sshrl.u32 s10, $0x1;
	s30 =	sadd.s32 s7, s9;
	[dreg:$0xd] =	wrdreg s29  }
0x10: {  	s10 =	ssub.s32 s10, s12;
	s31 =	sadd.s32 s8, s9;
	[dreg:$0xe] =	wrdreg s30  }
0x11: {  	v0 =	vimm.f32 $0.0e+00;
	s12 =	simm.s32 $0x9;
	[dreg:$0xf] =	wrdreg s31;
	s11 =	smax.u32 s10, $0x1  }
.LBB2_1:
0x12: {  	_ =	strace $0x80000048  }
0x13: {  	s0 =	rddreg [dreg:$0x9]  }
0x14: {  	[tilespmem:s3], [sflag:$0x9] =	stream.linear.gather [hbm4b:s0+s3], $0x2000, $0x200038;
	[tilespmem:$0x18000] =	vst v63  }
0x15: {  	_ =	swait.ge [sflag:s12], $0x2000  }
0x16: {  	[sflag:s12] =	ssyncset.done $0x0  }
0x17: {  	s2 =	simm.s32 $0x2000;
	s29 =	rddreg [dreg:$0xa];
	[sflag:s12] =	ssyncadd.s32 $0xFFFFE000  }
0x18: {  	[tilespmem:s2], [sflag:$0x9] =	stream.linear.gather [hbm4b:s29+s3], $0x2000, $0x200038;
	[tilespmem:$0x18000] =	vst v63  }
0x19: {  	_ =	swait.ge [sflag:s12], $0x2000  }
0x1a: {  	[sflag:s12] =	ssyncset.done $0x0  }
0x1b: {  	s31 =	simm.s32 $0x4000;
	s30 =	rddreg [dreg:$0xb];
	[sflag:s12] =	ssyncadd.s32 $0xFFFFE000  }
0x1c: {  	[tilespmem:s31], [sflag:$0x9] =	stream.linear.gather [hbm4b:s30+s3], $0x2000, $0x200038;
	[tilespmem:$0x18000] =	vst v63  }
0x1d: {  	_ =	swait.ge [sflag:s12], $0x2000  }
0x1e: {  	[sflag:s12] =	ssyncset.done $0x0  }
0x1f: {  	[sflag:s12] =	ssyncadd.s32 $0xFFFFE000  }
0x20: {  	_ =	strace $0x90000048  }
0x21: {  	s0 =	simm.s32 $0x0;
	s2 =	simm.s32 $0x0;
	_ =	strace $0x80000049  }
.LBB2_2:
0x22: {  	s13 =	sshra.s32 s0, $0x2  }
0x23: {  	v2 =	vld [tilespmem:s13+$0x10]  }
0x24: {  	v3 =	vld [tilespmem:s13+$0x2010]  }
0x25: {  	v4 =	vld [tilespmem:s13+$0x0]  }
0x26: {  	v5 =	vld [tilespmem:s13+$0x2000]  }
0x27: {  	v1 =	vld [tilespmem:s13+$0x4010]  }
0x28: {  	v8 =	vld [tilespmem:s13+$0x4000]  }
0x29: {  	v6 =	vand.u32 $0x7FFFFFFF, v2  }
0x2a: {  	v2 =	vmul.f32 $1.280000000e+02, v2;
	v7 =	vmul.f32 $1.280000000e+02, v3;
	v3 =	vand.u32 $0x7FFFFFFF, v3  }
0x2b: {  	v9 =	vmul.f32 $1.280000000e+02, v4;
	v10 =	vmul.f32 $1.280000000e+02, v5;
	vm0 =	vlt.f32 v6, $5.000000000e-01  }
0x2c: {  	v2 =	vadd.f32 $6.400000000e+01, v2;
	v6 =	vadd.f32 $6.400000000e+01, v7;
	v7 =	vmul.f32 $1.280000000e+02, v1  }
0x2d: {  	v4 =	vand.u32 $0x7FFFFFFF, v4;
	v11 =	vmul.f32 $1.280000000e+02, v8;
	v10 =	vadd.f32 $6.400000000e+01, v10  }
0x2e: {  	v2 =	vtrunc.f32 v2;
	v6 =	vtrunc.f32 v6;
	v7 =	vadd.f32 $6.400000000e+01, v7  }
0x2f: {  	v9 =	vadd.f32 $6.400000000e+01, v9;
	v63 =	vtrunc.f32 v10;
	v2 =	vcvt.f32.s32 v2  }
0x30: {  	vm1 =	vlt.f32 v4, $5.000000000e-01;
	v6 =	vcvt.f32.s32 v6;
	v4 =	vtrunc.f32 v7  }
0x31: {  	v5 =	vand.u32 $0x7FFFFFFF, v5;
	v7 =	vtrunc.f32 v9;
	v4 =	vcvt.f32.s32 v4  }
0x32: {  	v9 =	vcvt.f32.s32 v63;
	vm2 =	vgt.s32 v2, $0x0;
	vm3 =	vgt.s32 v6, $0x0  }
0x33: {  	v2 =	vnsel vm2, $0x0, v2;
	v6 =	vnsel vm3, $0x0, v6;
	vm2 =	vgt.s32 v4, $0x0  }
0x34: {  	v2 =	vmin.u32 v2, $0x7F;
	v6 =	vmin.u32 v6, $0x7F;
	v4 =	vnsel vm2, $0x0, v4  }
0x35: {  	v2 =	vshll.u32 v2, $0x10;
	v6 =	vshll.u32 v6, $0x9;
	v4 =	vmin.u32 v4, $0x7F  }
0x36: {  	v2 =	vor.u32 v2, v6;
	v6 =	vcvt.f32.s32 v7;
	v7 =	vadd.f32 $6.400000000e+01, v11  }
0x37: {  	vm3 =	vlt.f32 v3, $5.000000000e-01;
	vm2 =	vlt.f32 v5, $5.000000000e-01;
	v2 =	vor.u32 v4, v2  }
0x38: {  	v5 =	vor.u32 $0x180, v2;
	vm4 =	vgt.s32 v6, $0x0;
	v4 =	vtrunc.f32 v7  }
0x39: {  	v3 =	vnsel vm4, $0x0, v6;
	vm4 =	vgt.s32 v9, $0x0;
	v4 =	vcvt.f32.s32 v4  }
0x3a: {  	[tilespmem:s13+$0x8010] =	vst v2;
	v7 =	vmin.u32 v3, $0x7F;
	v6 =	vnsel vm4, $0x0, v9;
	v3 =	vand.u32 $0x7FFFFFFF, v8  }
0x3b: {  	s14 =	sshll.u32 s2, $0x7;
	s4 =	simm.s32 $0x0;
	s5 =	sadd.s32 $0x80, s0;
	[tilespmem:s13+$0xE010] =	vst v5;
	v6 =	vmin.u32 v6, $0x7F;
	vm4 =	vgt.s32 v4, $0x0;
	v5 =	vshll.u32 v7, $0x10  }
.LBB2_3:
0x3c: {  	s6 =	sshra.s32 s5, $0x2;
	v4 =	vnsel vm4, $0x0, v4;
	v6 =	vshll.u32 v6, $0x9;
	v1 =	vand.u32 $0x7FFFFFFF, v1  }
0x3d: {  	s4 =	sadd.s32 $0x2, s4;
	vm1 =	vmand vm1, vm2;
	v7 =	vld [tilespmem:s6+$0x10];
	v4 =	vmin.u32 v4, $0x7F;
	v5 =	vor.u32 v5, v6  }
0x3e: {  	vm2 =	vlt.f32 v3, $5.000000000e-01;
	vm0 =	vmand vm0, vm3;
	p0 =	slt.u32 s4, $0x6;
	vm3 =	vlt.f32 v1, $5.000000000e-01;
	v6 =	vld [tilespmem:s6+$0x2010]  }
0x3f: {  	vm1 =	vmand vm1, vm2;
	v4 =	vor.u32 v4, v5;
	vm0 =	vmand vm0, vm3;
	v3 =	vld [tilespmem:s6+$0x0]  }
0x40: {  	v5 =	vor.u32 $0x80, v4;
	v8 =	vor.u32 $0x100, v4;
	v1 =	vld [tilespmem:s6+$0x4010];
	[tilespmem:s13+$0x8000] =	vst v4;
	v4 =	vor.u32 $0x180, v4  }
0x41: {  	v10 =	vor.u32 $0x80, v2;
	v2 =	vor.u32 $0x100, v2;
	v9 =	vld [tilespmem:s6+$0x2000];
	[tilespmem:s13+$0xA000] =	vst v5;
	v5 =	vsel vm1, $0x3F800000, v0  }
0x42: {  	v11 =	vld [tilespmem:s6+$0x4000];
	v12 =	vand.u32 $0x7FFFFFFF, v7;
	[tilespmem:s13+$0xC000] =	vst v8;
	v8 =	vsel vm0, $0x3F800000, v0  }
0x43: {  	v7 =	vmul.f32 $1.280000000e+02, v7;
	v13 =	vmul.f32 $1.280000000e+02, v6;
	v6 =	vand.u32 $0x7FFFFFFF, v6;
	[tilespmem:s13+$0xE000] =	vst v4  }
0x44: {  	vm0 =	vlt.f32 v12, $5.000000000e-01;
	v4 =	vmul.f32 $1.280000000e+02, v3;
	v3 =	vand.u32 $0x7FFFFFFF, v3;
	[tilespmem:s13+$0xA010] =	vst v10  }
0x45: {  	v7 =	vadd.f32 $6.400000000e+01, v7;
	v10 =	vadd.f32 $6.400000000e+01, v13;
	v12 =	vmul.f32 $1.280000000e+02, v1;
	[tilespmem:s13+$0xC010] =	vst v2  }
0x46: {  	v2 =	vadd.f32 $6.400000000e+01, v4;
	v4 =	vmul.f32 $1.280000000e+02, v9;
	v9 =	vand.u32 $0x7FFFFFFF, v9;
	[tilespmem:s13+$0x6000] =	vst v5  }
0x47: {  	v5 =	vtrunc.f32 v7;
	v7 =	vtrunc.f32 v10;
	v10 =	vadd.f32 $6.400000000e+01, v12;
	[tilespmem:s13+$0x6010] =	vst v8;
	s13 =	smov.u32 s6  }
0x48: {  	v5 =	vcvt.f32.s32 v5;
	v4 =	vadd.f32 $6.400000000e+01, v4;
	v7 =	vcvt.f32.s32 v7  }
0x49: {  	vm1 =	vlt.f32 v3, $5.000000000e-01;
	v8 =	vmul.f32 $1.280000000e+02, v11;
	v3 =	vtrunc.f32 v10  }
0x4a: {  	vm2 =	vgt.s32 v5, $0x0;
	vm3 =	vgt.s32 v7, $0x0;
	v3 =	vcvt.f32.s32 v3  }
0x4b: {  	v2 =	vtrunc.f32 v2;
	v5 =	vnsel vm2, $0x0, v5;
	v7 =	vnsel vm3, $0x0, v7  }
0x4c: {  	v5 =	vmin.u32 v5, $0x7F;
	v7 =	vmin.u32 v7, $0x7F;
	vm2 =	vgt.s32 v3, $0x0  }
0x4d: {  	v5 =	vshll.u32 v5, $0x10;
	v3 =	vnsel vm2, $0x0, v3;
	v7 =	vshll.u32 v7, $0x9  }
0x4e: {  	v4 =	vtrunc.f32 v4;
	v3 =	vmin.u32 v3, $0x7F;
	v5 =	vor.u32 v5, v7  }
0x4f: {  	v8 =	vadd.f32 $6.400000000e+01, v8;
	v7 =	vcvt.f32.s32 v2;
	v2 =	vor.u32 v3, v5  }
.Ltmp0:
0x50: {  	vm2 =	vlt.f32 v9, $5.000000000e-01;
	v3 =	vcvt.f32.s32 v4;
	[tilespmem:s13+$0x8010] =	vst v2;
	v4 =	vor.u32 $0x180, v2;
	(pc) =	sbr.rel @p0 .LBB2_3-.Ltmp0, $4  }
0x51: {  	vm3 =	vlt.f32 v6, $5.000000000e-01;
	v5 =	vtrunc.f32 v8;
	vm4 =	vgt.s32 v7, $0x0;
	[tilespmem:s13+$0xE010] =	vst v4  }
0x52: {  	v6 =	vnsel vm4, $0x0, v7;
	vm4 =	vgt.s32 v3, $0x0;
	v4 =	vcvt.f32.s32 v5  }
0x53: {  	v5 =	vmin.u32 v6, $0x7F;
	v6 =	vnsel vm4, $0x0, v3;
	v3 =	vand.u32 $0x7FFFFFFF, v11  }
0x54: {  	s5 =	sadd.s32 $0x80, s5;
	v6 =	vmin.u32 v6, $0x7F;
	vm4 =	vgt.s32 v4, $0x0;
	v5 =	vshll.u32 v5, $0x10  }
0x55: {  	v4 =	vnsel vm4, $0x0, v4  }
0x56: {  	v6 =	vshll.u32 v6, $0x9;
	v1 =	vand.u32 $0x7FFFFFFF, v1;
	vm1 =	vmand vm1, vm2  }
0x57: {  	vm14 =	vlt.f32 v3, $5.000000000e-01;
	v3 =	vor.u32 $0x80, v2;
	v4 =	vmin.u32 v4, $0x7F  }
0x58: {  	v5 =	vor.u32 v5, v6;
	vm15 =	vlt.f32 v1, $5.000000000e-01;
	v1 =	vor.u32 $0x100, v2;
	[tilespmem:s13+$0xA010] =	vst v3  }
0x59: {  	vm1 =	vmand vm1, vm14;
	v4 =	vor.u32 v4, v5;
	[tilespmem:s13+$0xC010] =	vst v1  }
0x5a: {  	v2 =	vsel vm1, $0x3F800000, v0;
	[tilespmem:s13+$0x8000] =	vst v4  }
0x5b: {  	v5 =	vor.u32 $0x80, v4;
	[tilespmem:s13+$0x6000] =	vst v2  }
0x5c: {  	vm0 =	vmand vm0, vm3;
	v63 =	vor.u32 $0x100, v4;
	[tilespmem:s13+$0xA000] =	vst v5  }
0x5d: {  	vm0 =	vmand vm0, vm15;
	v4 =	vor.u32 $0x180, v4;
	[tilespmem:s13+$0xC000] =	vst v63  }
0x5e: {  	v1 =	vsel vm0, $0x3F800000, v0;
	[tilespmem:s13+$0xE000] =	vst v4  }
0x5f: {  	s4 =	sadd.s32 $0x10000, s14;
	s5 =	sadd.s32 $0x8000, s14;
	s2 =	sadd.s32 $0x1, s2;
	[tilespmem:s13+$0x6010] =	vst v1  }
0x60: {  	[tilespmem:s4], [sflag:s2] =	stream.indirect.gather [hbm4b:s1+s15], $0x1, s5, s15, $0x2000b8;
	[tilespmem:$0x18000] =	vst v63  }
0x61: {  	s25 =	sadd.s32 $0x12000, s14;
	s26 =	sadd.s32 $0xA000, s14;
	p0 =	sne.s32 s2, $0x8  }
0x62: {  	[tilespmem:s25], [sflag:s2] =	stream.indirect.gather [hbm4b:s1+s15], $0x1, s26, s15, $0x2000b8;
	[tilespmem:$0x18000] =	vst v63  }
.Ltmp1:
0x63: {  	_ = 	snop;
	(pc) =	sbr.rel @p0 .LBB2_2-.Ltmp1, $4  }
0x64: {  	s28 =	sadd.s32 $0x14000, s14;
	s29 =	sadd.s32 $0xC000, s14  }
0x65: {  	[tilespmem:s28], [sflag:s2] =	stream.indirect.gather [hbm4b:s1+s15], $0x1, s29, s15, $0x2000b8;
	[tilespmem:$0x18000] =	vst v63  }
0x66: {  	s30 =	sadd.s32 $0x16000, s14;
	s31 =	sadd.s32 $0xE000, s14;
	s0 =	sadd.s32 $0x200, s0  }
0x67: {  	[tilespmem:s30], [sflag:s2] =	stream.indirect.gather [hbm4b:s1+s15], $0x1, s31, s15, $0x2000b8;
	[tilespmem:$0x18000] =	vst v63  }
0x68: {  	_ =	strace $0x90000049;
	s21 =	simm.s32 $0x0;
	s22 =	simm.s32 $0x6010  }
0x69: {  	s4 =	simm.s32 $0x10010;
	s19 =	simm.s32 $0x12010;
	s17 =	simm.s32 $0x14010  }
0x6a: {  	s18 =	simm.s32 $0x16010;
	s28 =	simm.s32 $0x0;
	_ =	strace $0x8000004A  }
.LBB2_6:
0x6b: {  	s0 =	sshra.s32 s21, $0x2  }
0x6c: {  	v2 =	vld [tilespmem:s0+$0x410]  }
0x6d: {  	v3 =	vld [tilespmem:s0+$0x2410]  }
0x6e: {  	v4 =	vld [tilespmem:s0+$0x400]  }
0x6f: {  	v5 =	vld [tilespmem:s0+$0x2400]  }
0x70: {  	v1 =	vld [tilespmem:s0+$0x4410]  }
0x71: {  	v8 =	vld [tilespmem:s0+$0x4400]  }
0x72: {  	v6 =	vand.u32 $0x7FFFFFFF, v2  }
0x73: {  	v2 =	vmul.f32 $1.280000000e+02, v2;
	v7 =	vmul.f32 $1.280000000e+02, v3;
	v3 =	vand.u32 $0x7FFFFFFF, v3  }
0x74: {  	v9 =	vmul.f32 $1.280000000e+02, v4;
	v10 =	vmul.f32 $1.280000000e+02, v5;
	vm0 =	vlt.f32 v6, $5.000000000e-01  }
0x75: {  	v2 =	vadd.f32 $6.400000000e+01, v2;
	v6 =	vadd.f32 $6.400000000e+01, v7;
	v7 =	vmul.f32 $1.280000000e+02, v1  }
0x76: {  	v4 =	vand.u32 $0x7FFFFFFF, v4;
	v11 =	vmul.f32 $1.280000000e+02, v8;
	v10 =	vadd.f32 $6.400000000e+01, v10  }
0x77: {  	v2 =	vtrunc.f32 v2;
	v6 =	vtrunc.f32 v6;
	v7 =	vadd.f32 $6.400000000e+01, v7  }
0x78: {  	v9 =	vadd.f32 $6.400000000e+01, v9;
	v63 =	vtrunc.f32 v10;
	v2 =	vcvt.f32.s32 v2  }
0x79: {  	vm1 =	vlt.f32 v4, $5.000000000e-01;
	v6 =	vcvt.f32.s32 v6;
	v4 =	vtrunc.f32 v7  }
0x7a: {  	v5 =	vand.u32 $0x7FFFFFFF, v5;
	v7 =	vtrunc.f32 v9;
	v4 =	vcvt.f32.s32 v4  }
0x7b: {  	v9 =	vcvt.f32.s32 v63;
	vm2 =	vgt.s32 v2, $0x0;
	vm3 =	vgt.s32 v6, $0x0  }
0x7c: {  	v2 =	vnsel vm2, $0x0, v2;
	v6 =	vnsel vm3, $0x0, v6;
	vm2 =	vgt.s32 v4, $0x0  }
0x7d: {  	v2 =	vmin.u32 v2, $0x7F;
	v6 =	vmin.u32 v6, $0x7F;
	v4 =	vnsel vm2, $0x0, v4  }
0x7e: {  	v2 =	vshll.u32 v2, $0x10;
	v6 =	vshll.u32 v6, $0x9;
	v4 =	vmin.u32 v4, $0x7F  }
0x7f: {  	v2 =	vor.u32 v2, v6;
	v6 =	vcvt.f32.s32 v7;
	v7 =	vadd.f32 $6.400000000e+01, v11  }
0x80: {  	vm3 =	vlt.f32 v3, $5.000000000e-01;
	vm2 =	vlt.f32 v5, $5.000000000e-01;
	v2 =	vor.u32 v4, v2  }
0x81: {  	v5 =	vor.u32 $0x180, v2;
	vm4 =	vgt.s32 v6, $0x0;
	v4 =	vtrunc.f32 v7  }
0x82: {  	v3 =	vnsel vm4, $0x0, v6;
	vm4 =	vgt.s32 v9, $0x0;
	v4 =	vcvt.f32.s32 v4  }
0x83: {  	s2 =	sshll.u32 s28, $0x7;
	[tilespmem:s0+$0x8410] =	vst v2;
	v7 =	vmin.u32 v3, $0x7F;
	v6 =	vnsel vm4, $0x0, v9;
	v3 =	vand.u32 $0x7FFFFFFF, v8  }
0x84: {  	s5 =	simm.s32 $0x0;
	s6 =	sadd.s32 $0x80, s21;
	s2 =	sadd.s32 $0x400, s2;
	[tilespmem:s0+$0xE410] =	vst v5;
	v6 =	vmin.u32 v6, $0x7F;
	vm4 =	vgt.s32 v4, $0x0;
	v5 =	vshll.u32 v7, $0x10  }
.LBB2_7:
0x85: {  	s7 =	sshra.s32 s6, $0x2;
	v4 =	vnsel vm4, $0x0, v4;
	v6 =	vshll.u32 v6, $0x9;
	v1 =	vand.u32 $0x7FFFFFFF, v1  }
0x86: {  	s5 =	sadd.s32 $0x2, s5;
	vm1 =	vmand vm1, vm2;
	v7 =	vld [tilespmem:s7+$0x410];
	v4 =	vmin.u32 v4, $0x7F;
	v5 =	vor.u32 v5, v6  }
0x87: {  	vm2 =	vlt.f32 v3, $5.000000000e-01;
	vm0 =	vmand vm0, vm3;
	p0 =	slt.u32 s5, $0x6;
	vm3 =	vlt.f32 v1, $5.000000000e-01;
	v6 =	vld [tilespmem:s7+$0x2410]  }
0x88: {  	vm1 =	vmand vm1, vm2;
	v4 =	vor.u32 v4, v5;
	vm0 =	vmand vm0, vm3;
	v3 =	vld [tilespmem:s7+$0x400]  }
0x89: {  	v5 =	vor.u32 $0x80, v4;
	v8 =	vor.u32 $0x100, v4;
	v1 =	vld [tilespmem:s7+$0x4410];
	[tilespmem:s0+$0x8400] =	vst v4;
	v4 =	vor.u32 $0x180, v4  }
0x8a: {  	v10 =	vor.u32 $0x80, v2;
	v2 =	vor.u32 $0x100, v2;
	v9 =	vld [tilespmem:s7+$0x2400];
	[tilespmem:s0+$0xA400] =	vst v5;
	v5 =	vsel vm1, $0x3F800000, v0  }
0x8b: {  	v11 =	vld [tilespmem:s7+$0x4400];
	v12 =	vand.u32 $0x7FFFFFFF, v7;
	[tilespmem:s0+$0xC400] =	vst v8;
	v8 =	vsel vm0, $0x3F800000, v0  }
0x8c: {  	v7 =	vmul.f32 $1.280000000e+02, v7;
	v13 =	vmul.f32 $1.280000000e+02, v6;
	v6 =	vand.u32 $0x7FFFFFFF, v6;
	[tilespmem:s0+$0xE400] =	vst v4  }
0x8d: {  	vm0 =	vlt.f32 v12, $5.000000000e-01;
	v4 =	vmul.f32 $1.280000000e+02, v3;
	v3 =	vand.u32 $0x7FFFFFFF, v3;
	[tilespmem:s0+$0xA410] =	vst v10  }
0x8e: {  	v7 =	vadd.f32 $6.400000000e+01, v7;
	v10 =	vadd.f32 $6.400000000e+01, v13;
	v12 =	vmul.f32 $1.280000000e+02, v1;
	[tilespmem:s0+$0xC410] =	vst v2  }
0x8f: {  	v2 =	vadd.f32 $6.400000000e+01, v4;
	v4 =	vmul.f32 $1.280000000e+02, v9;
	v9 =	vand.u32 $0x7FFFFFFF, v9;
	[tilespmem:s0+$0x6400] =	vst v5  }
0x90: {  	v5 =	vtrunc.f32 v7;
	v7 =	vtrunc.f32 v10;
	v10 =	vadd.f32 $6.400000000e+01, v12;
	[tilespmem:s0+$0x6410] =	vst v8;
	s0 =	smov.u32 s7  }
0x91: {  	v5 =	vcvt.f32.s32 v5;
	v4 =	vadd.f32 $6.400000000e+01, v4;
	v7 =	vcvt.f32.s32 v7  }
0x92: {  	vm1 =	vlt.f32 v3, $5.000000000e-01;
	v8 =	vmul.f32 $1.280000000e+02, v11;
	v3 =	vtrunc.f32 v10  }
0x93: {  	vm2 =	vgt.s32 v5, $0x0;
	vm3 =	vgt.s32 v7, $0x0;
	v3 =	vcvt.f32.s32 v3  }
0x94: {  	v2 =	vtrunc.f32 v2;
	v5 =	vnsel vm2, $0x0, v5;
	v7 =	vnsel vm3, $0x0, v7  }
0x95: {  	v5 =	vmin.u32 v5, $0x7F;
	v7 =	vmin.u32 v7, $0x7F;
	vm2 =	vgt.s32 v3, $0x0  }
0x96: {  	v5 =	vshll.u32 v5, $0x10;
	v3 =	vnsel vm2, $0x0, v3;
	v7 =	vshll.u32 v7, $0x9  }
0x97: {  	v4 =	vtrunc.f32 v4;
	v3 =	vmin.u32 v3, $0x7F;
	v5 =	vor.u32 v5, v7  }
0x98: {  	v8 =	vadd.f32 $6.400000000e+01, v8;
	v7 =	vcvt.f32.s32 v2;
	v2 =	vor.u32 v3, v5  }
.Ltmp2:
0x99: {  	vm2 =	vlt.f32 v9, $5.000000000e-01;
	v3 =	vcvt.f32.s32 v4;
	[tilespmem:s0+$0x8410] =	vst v2;
	v4 =	vor.u32 $0x180, v2;
	(pc) =	sbr.rel @p0 .LBB2_7-.Ltmp2, $4  }
0x9a: {  	vm3 =	vlt.f32 v6, $5.000000000e-01;
	v5 =	vtrunc.f32 v8;
	vm4 =	vgt.s32 v7, $0x0;
	[tilespmem:s0+$0xE410] =	vst v4  }
0x9b: {  	v6 =	vnsel vm4, $0x0, v7;
	vm4 =	vgt.s32 v3, $0x0;
	v4 =	vcvt.f32.s32 v5  }
0x9c: {  	v5 =	vmin.u32 v6, $0x7F;
	v6 =	vnsel vm4, $0x0, v3;
	v3 =	vand.u32 $0x7FFFFFFF, v11  }
0x9d: {  	s6 =	sadd.s32 $0x80, s6;
	v6 =	vmin.u32 v6, $0x7F;
	vm4 =	vgt.s32 v4, $0x0;
	v5 =	vshll.u32 v5, $0x10  }
0x9e: {  	v4 =	vnsel vm4, $0x0, v4  }
0x9f: {  	v6 =	vshll.u32 v6, $0x9;
	v1 =	vand.u32 $0x7FFFFFFF, v1;
	vm1 =	vmand vm1, vm2  }
0xa0: {  	vm14 =	vlt.f32 v3, $5.000000000e-01;
	v3 =	vor.u32 $0x80, v2;
	v4 =	vmin.u32 v4, $0x7F  }
0xa1: {  	v5 =	vor.u32 v5, v6;
	vm15 =	vlt.f32 v1, $5.000000000e-01;
	v1 =	vor.u32 $0x100, v2;
	[tilespmem:s0+$0xA410] =	vst v3  }
0xa2: {  	vm1 =	vmand vm1, vm14;
	v4 =	vor.u32 v4, v5;
	[tilespmem:s0+$0xC410] =	vst v1  }
0xa3: {  	v2 =	vsel vm1, $0x3F800000, v0;
	[tilespmem:s0+$0x8400] =	vst v4  }
0xa4: {  	v5 =	vor.u32 $0x80, v4;
	[tilespmem:s0+$0x6400] =	vst v2  }
0xa5: {  	vm0 =	vmand vm0, vm3;
	v6 =	vor.u32 $0x100, v4;
	[tilespmem:s0+$0xA400] =	vst v5  }
0xa6: {  	vm0 =	vmand vm0, vm15;
	v4 =	vor.u32 $0x180, v4;
	[tilespmem:s0+$0xC400] =	vst v6  }
0xa7: {  	s5 =	sand.u32 $0x7, s28;
	v1 =	vsel vm0, $0x3F800000, v0;
	[tilespmem:s0+$0xE400] =	vst v4  }
0xa8: {  	s9 =	sadd.s32 $0x1, s5;
	[tilespmem:s0+$0x6410] =	vst v1  }
0xa9: {  	_ =	swait.ge [sflag:s9], $0x80  }
0xaa: {  	[sflag:s9] =	ssyncset.done $0x0  }
0xab: {  	[sflag:s9] =	ssyncadd.s32 $0xFFFFFF80  }
0xac: {  	_ =	swait.ge [sflag:s9], $0x80  }
0xad: {  	[sflag:s9] =	ssyncset.done $0x0  }
0xae: {  	[sflag:s9] =	ssyncadd.s32 $0xFFFFFF80  }
0xaf: {  	_ =	swait.ge [sflag:s9], $0x80  }
0xb0: {  	[sflag:s9] =	ssyncset.done $0x0  }
0xb1: {  	[sflag:s9] =	ssyncadd.s32 $0xFFFFFF80  }
0xb2: {  	_ =	swait.ge [sflag:s9], $0x80  }
0xb3: {  	[sflag:s9] =	ssyncset.done $0x0  }
0xb4: {  	s10 =	sadd.s32 $0x10000, s2;
	s6 =	sadd.s32 $0x8000, s2;
	[sflag:s9] =	ssyncadd.s32 $0xFFFFFF80  }
0xb5: {  	[tilespmem:s10], [sflag:s9] =	stream.indirect.gather [hbm4b:s1+s15], $0x1, s6, s15, $0x2000b8;
	[tilespmem:$0x18000] =	vst v63  }
0xb6: {  	s13 =	sadd.s32 $0x12000, s2;
	s14 =	sadd.s32 $0xA000, s2  }
0xb7: {  	[tilespmem:s13], [sflag:s9] =	stream.indirect.gather [hbm4b:s1+s15], $0x1, s14, s15, $0x2000b8;
	[tilespmem:$0x18000] =	vst v63  }
0xb8: {  	s16 =	sadd.s32 $0x14000, s2;
	s23 =	sadd.s32 $0xC000, s2  }
0xb9: {  	[tilespmem:s16], [sflag:s9] =	stream.indirect.gather [hbm4b:s1+s15], $0x1, s23, s15, $0x2000b8;
	[tilespmem:$0x18000] =	vst v63  }
0xba: {  	s24 =	sadd.s32 $0x16000, s2;
	s25 =	sadd.s32 $0xE000, s2  }
0xbb: {  	[tilespmem:s24], [sflag:s9] =	stream.indirect.gather [hbm4b:s1+s15], $0x1, s25, s15, $0x2000b8;
	[tilespmem:$0x18000] =	vst v63  }
0xbc: {  	v2 =	vld [tilespmem:s4+$0xFFFFFFF0]  }
0xbd: {  	v3 =	vld [tilespmem:s19+$0xFFFFFFF0]  }
0xbe: {  	v4 =	vld [tilespmem:s22+$0xFFFFFFF0]  }
0xbf: {  	v5 =	vld [tilespmem:s17+$0xFFFFFFF0]  }
0xc0: {  	v6 =	vld [tilespmem:s22+$0x0]  }
0xc1: {  	v7 =	vld [tilespmem:s17+$0x0]  }
0xc2: {  	v1 =	vld [tilespmem:s19+$0x0]  }
0xc3: {  	v8 =	vld [tilespmem:s4+$0x0];
	v2 =	vmul.f32 v2, v4;
	_ =	sdelay $0x1  }
0xc4: {  	v9 =	vld [tilespmem:s18+$0x0];
	v5 =	vmul.f32 v5, v4;
	v2 =	vsub.f32 $0.0e+00, v2  }
0xc5: {  	s30 =	sadd.s32 $0x20, s4;
	v10 =	vld [tilespmem:s18+$0xFFFFFFF0];
	v3 =	vmul.f32 v3, v4;
	v7 =	vmul.f32 v7, v6  }
0xc6: {  	s26 =	sadd.s32 $0x20, s22;
	v12 =	vld [tilespmem:s30+$0xFFFFFFF0];
	v1 =	vmul.f32 v1, v6;
	v5 =	vsub.f32 $0.0e+00, v5;
	v2 =	vmul.f32 $1.442695020e+00, v2  }
0xc7: {  	s29 =	sadd.s32 $0x20, s19;
	v14 =	vld [tilespmem:s26+$0xFFFFFFF0];
	v8 =	vmul.f32 v8, v6;
	v3 =	vsub.f32 $0.0e+00, v3;
	v7 =	vsub.f32 $0.0e+00, v7  }
0xc8: {  	v11 =	vld [tilespmem:s29+$0x0];
	v1 =	vsub.f32 $0.0e+00, v1;
	v5 =	vmul.f32 $1.442695020e+00, v5;
	(erf) = vpow2.f32 v2  }
0xc9: {  	s31 =	sadd.s32 $0x20, s17;
	v15 =	vld [tilespmem:s26+$0x0];
	v8 =	vsub.f32 $0.0e+00, v8;
	v7 =	vmul.f32 $1.442695020e+00, v7;
	v2 =	vmul.f32 $1.442695020e+00, v3  }
0xca: {  	v16 =	vld [tilespmem:s31+$0xFFFFFFF0];
	v3 =	vmul.f32 $1.442695020e+00, v1;
	v1 =	vmul.f32 v10, v4  }
0xcb: {  	v13 =	vld [tilespmem:s29+$0xFFFFFFF0];
	(erf) = vpow2.f32 v5;
	v5 =	vmul.f32 $1.442695020e+00, v8  }
0xcc: {  	v4 =	vld [tilespmem:s30+$0x0];
	(erf) = vpow2.f32 v7;
	v7 =	vmul.f32 v12, v14  }
0xcd: {  	v8 =	vld [tilespmem:s31+$0x0];
	(erf) = vpow2.f32 v2  }
0xce: {  	v10 =	vmul.f32 v11, v15;
	(erf) = vpow2.f32 v5;
	v7 =	vsub.f32 $0.0e+00, v7  }
0xcf: {  	v2 =	vmul.f32 v9, v6;
	v6 =	vmul.f32 v16, v14  }
0xd0: {  	v10 =	vsub.f32 $0.0e+00, v10;
	v5 =	vmul.f32 v13, v14;
	v7 =	vmul.f32 $1.442695020e+00, v7  }
0xd1: {  	s2 =	sadd.s32 $0x20, s18;
	v9 =	vmul.f32 v4, v15;
	v6 =	vsub.f32 $0.0e+00, v6;
	(erf) = vpow2.f32 v3;
	v3 =	vpop (erf)  }
0xd2: {  	s13 =	sadd.s32 $0x20, s29;
	v4 =	vld [tilespmem:s2+$0xFFFFFFF0];
	v8 =	vmul.f32 v8, v15;
	v5 =	vsub.f32 $0.0e+00, v5;
	v12 =	vadd.f32 $1.000000000e+00, v3  }
0xd3: {  	s0 =	sadd.s32 $0x20, s30;
	v17 =	vld [tilespmem:s13+$0xFFFFFFF0];
	v16 =	vmul.f32 $1.442695020e+00, v6  }
0xd4: {  	s5 =	sadd.s32 $0x20, s26;
	v13 =	vld [tilespmem:s0+$0xFFFFFFF0];
	(erf) = vpow2.f32 v7;
	v18 =	vsub.f32 $0.0e+00, v8;
	v19 =	vmul.f32 $1.442695020e+00, v5;
	v7 =	vpop (erf)  }
0xd5: {  	v8 =	vmul.f32 $1.442695020e+00, v10;
	v3 =	vld [tilespmem:s5+$0xFFFFFFF0];
	v10 =	vpop (erf);
	v5 =	vadd.f32 $1.000000000e+00, v7;
	(erf) = vrcp.f32 v12  }
0xd6: {  	s16 =	sadd.s32 $0x20, s31;
	v11 =	vld [tilespmem:s2+$0x0];
	v7 =	vmul.f32 $1.442695020e+00, v18;
	(erf) = vpow2.f32 v16;
	v12 =	vpop (erf)  }
0xd7: {  	v9 =	vsub.f32 $0.0e+00, v9;
	v6 =	vmul.f32 v4, v14;
	v16 =	vld [tilespmem:s16+$0xFFFFFFF0];
	(erf) = vrcp.f32 v5;
	v14 =	vpop (erf)  }
0xd8: {  	v12 =	vadd.f32 $1.000000000e+00, v12;
	(erf) = vpow2.f32 v7;
	v7 =	vadd.f32 $1.000000000e+00, v14  }
0xd9: {  	v9 =	vmul.f32 $1.442695020e+00, v9;
	v4 =	vld [tilespmem:s5+$0x0]  }
0xda: {  	v18 =	vld [tilespmem:s0+$0x0];
	(erf) = vrcp.f32 v12;
	v12 =	vmul.f32 v13, v3  }
0xdb: {  	v5 =	vmul.f32 v11, v15;
	v15 =	vld [tilespmem:s13+$0x0];
	v11 =	vmul.f32 v17, v3  }
0xdc: {  	v14 =	vld [tilespmem:s16+$0x0];
	(erf) = vrcp.f32 v7;
	v17 =	vmul.f32 v16, v3;
	v16 =	vsub.f32 $0.0e+00, v12;
	v7 =	vpop (erf)  }
0xdd: {  	s7 =	sadd.s32 $0x20, s5;
	(erf) = vpow2.f32 v19;
	v13 =	vadd.f32 $1.000000000e+00, v7  }
0xde: {  	s8 =	sadd.s32 $0x20, s0;
	s6 =	simm.s32 $0x4;
	s14 =	sadd.s32 $0x20, s2;
	(erf) = vpow2.f32 v9  }
0xdf: {  	s23 =	smov.u32 s4;
	s9 =	sadd.s32 $0x20, s13;
	s24 =	smov.u32 s19;
	v12 =	vadd.f32 $1.000000000e+00, v10;
	v10 =	vmul.f32 v18, v4;
	v9 =	vpop (erf);
	v7 =	vld [tilespmem:s14+$0x0];
	(erf) = vrcp.f32 v13  }
0xe0: {  	s25 =	smov.u32 s17;
	s26 =	smov.u32 s18;
	s5 =	smov.u32 s16;
	v15 =	vmul.f32 v15, v4;
	v18 =	vmul.f32 $1.442695020e+00, v16;
	v13 =	vadd.f32 $1.000000000e+00, v9;
	v9 =	vld [tilespmem:s14+$0xFFFFFFF0];
	v16 =	vpop (erf)  }
.LBB2_9:
0xe1: {  	v19 =	vld [tilespmem:s9+$0x0];
	s6 =	sadd.s32 $0x2, s6;
	v22 =	vsub.f32 $0.0e+00, v17;
	v14 =	vmul.f32 v14, v4;
	v20 =	vpop (erf);
	(erf) = vpow2.f32 v8;
	[tilespmem:s23+$0xFFFFFFF0] =	vst v16;
	s10 =	smov.u32 s14  }
0xe2: {  	v8 =	vsub.f32 $0.0e+00, v11;
	s16 =	sadd.s32 $0x20, s16;
	v16 =	vld [tilespmem:s8+$0xFFFFFFF0];
	p0 =	slt.u32 s6, $0x6;
	v24 =	vsub.f32 $0.0e+00, v15;
	v15 =	vpop (erf);
	(erf) = vrcp.f32 v12  }
0xe3: {  	v21 =	vld [tilespmem:s9+$0xFFFFFFF0];
	v12 =	vmul.f32 $1.442695020e+00, v22;
	v14 =	vsub.f32 $0.0e+00, v14;
	(erf) = vpow2.f32 v18;
	v17 =	vpop (erf)  }
0xe4: {  	v23 =	vmov v5;
	v22 =	vmul.f32 $1.442695020e+00, v8;
	v18 =	vld [tilespmem:s7+$0xFFFFFFF0];
	v8 =	vmul.f32 $1.442695020e+00, v24;
	v11 =	vpop (erf)  }
0xe5: {  	v20 =	vadd.f32 $1.000000000e+00, v20;
	v24 =	vld [tilespmem:s7+$0x0];
	v9 =	vmul.f32 v9, v3;
	(erf) = vrcp.f32 v13;
	[tilespmem:s24+$0xFFFFFFF0] =	vst v11;
	v11 =	vpop (erf)  }
0xe6: {  	v13 =	vmul.f32 $1.442695020e+00, v14;
	(erf) = vpow2.f32 v12;
	v5 =	vpop (erf);
	[tilespmem:s25+$0xFFFFFFF0] =	vst v15;
	v12 =	vmax.f32 v1, $0.0e+00  }
0xe7: {  	v10 =	vsub.f32 $0.0e+00, v10;
	v15 =	vld [tilespmem:s16+$0xFFFFFFF0];
	v14 =	vadd.f32 $1.000000000e+00, v5;
	(erf) = vrcp.f32 v20;
	v3 =	vpop (erf);
	[tilespmem:s26+$0xFFFFFFF0] =	vst v12  }
0xe8: {  	v5 =	vmul.f32 v7, v4;
	v20 =	vld [tilespmem:s8+$0x0];
	(erf) = vpow2.f32 v13;
	v13 =	vadd.f32 $1.000000000e+00, v3;
	[tilespmem:s23+$0x0] =	vst v11;
	v1 =	vpop (erf);
	s23 =	smov.u32 s30;
	s30 =	smov.u32 s0;
	s0 =	smov.u32 s8  }
0xe9: {  	v7 =	vmul.f32 $1.442695020e+00, v10;
	v12 =	vadd.f32 $1.000000000e+00, v17;
	(erf) = vrcp.f32 v14;
	[tilespmem:s24+$0x0] =	vst v1;
	v3 =	vmovc v18;
	v1 =	vmovc v6;
	s24 =	smov.u32 s29;
	s29 =	smov.u32 s13;
	s13 =	smov.u32 s9  }
.Ltmp3:
0xea: {  	v2 =	vmax.f32 v2, $0.0e+00;
	v16 =	vmul.f32 v16, v3;
	v14 =	vld [tilespmem:s16+$0x0];
	(erf) = vrcp.f32 v13;
	v4 =	vpop (erf);
	(pc) =	sbr.rel @p0 .LBB2_9-.Ltmp3, $4  }
0xeb: {  	v11 =	vmul.f32 v21, v3;
	(erf) = vpow2.f32 v22;
	v18 =	vadd.f32 $1.000000000e+00, v4;
	v10 =	vpop (erf)  }
0xec: {  	s14 =	sadd.s32 $0x20, s14;
	v17 =	vmul.f32 v15, v3;
	v15 =	vsub.f32 $0.0e+00, v16;
	v6 =	vpop (erf);
	(erf) = vpow2.f32 v7;
	[tilespmem:s25+$0x0] =	vst v10;
	s25 =	smov.u32 s31;
	s31 =	smov.u32 s5  }
0xed: {  	v4 =	vmovc v24;
	s5 =	smov.u32 s16;
	v10 =	vmul.f32 v20, v24;
	v7 =	vld [tilespmem:s14+$0x0];
	v13 =	vadd.f32 $1.000000000e+00, v6;
	(erf) = vrcp.f32 v18;
	[tilespmem:s26+$0x0] =	vst v2;
	v6 =	vmovc v9;
	s26 =	smov.u32 s2;
	s2 =	smov.u32 s10  }
0xee: {  	s7 =	sadd.s32 $0x20, s7;
	s8 =	sadd.s32 $0x20, s8;
	s9 =	sadd.s32 $0x20, s9;
	v2 =	vmov v23;
	v9 =	vld [tilespmem:s14+$0xFFFFFFF0];
	v18 =	vmul.f32 $1.442695020e+00, v15;
	v15 =	vmul.f32 v19, v4;
	v16 =	vpop (erf)  }
0xef: {  	v19 =	vpop (erf)  }
0xf0: {  	v17 =	vsub.f32 $0.0e+00, v17;
	v14 =	vmul.f32 v14, v4;
	(erf) = vpow2.f32 v8;
	v39 =	vpop (erf)  }
0xf1: {  	(erf) = vrcp.f32 v12;
	v40 =	vpop (erf)  }
0xf2: {  	v17 =	vmul.f32 $1.442695020e+00, v17;
	v14 =	vsub.f32 $0.0e+00, v14;
	(erf) = vpow2.f32 v18;
	v41 =	vpop (erf)  }
0xf3: {  	v19 =	vadd.f32 $1.000000000e+00, v19;
	(erf) = vrcp.f32 v13;
	v42 =	vpop (erf)  }
0xf4: {  	v14 =	vmul.f32 $1.442695020e+00, v14;
	(erf) = vpow2.f32 v17;
	v43 =	vpop (erf)  }
0xf5: {  	v11 =	vsub.f32 $0.0e+00, v11;
	(erf) = vrcp.f32 v19;
	v17 =	vadd.f32 $1.000000000e+00, v43;
	v44 =	vpop (erf)  }
0xf6: {  	(erf) = vpow2.f32 v14;
	v45 =	vadd.f32 $1.000000000e+00, v44  }
0xf7: {  	v10 =	vsub.f32 $0.0e+00, v10;
	v11 =	vmul.f32 $1.442695020e+00, v11;
	(erf) = vrcp.f32 v17  }
0xf8: {  	v46 =	vpop (erf);
	(erf) = vrcp.f32 v45  }
0xf9: {  	v47 =	vsub.f32 $0.0e+00, v15;
	v10 =	vmul.f32 $1.442695020e+00, v10;
	v48 =	vpop (erf);
	(erf) = vpow2.f32 v11  }
0xfa: {  	v49 =	vadd.f32 $1.000000000e+00, v48;
	v50 =	vpop (erf)  }
0xfb: {  	v14 =	vmul.f32 $1.442695020e+00, v47;
	v51 =	vpop (erf);
	(erf) = vpow2.f32 v10  }
0xfc: {  	(erf) = vrcp.f32 v49;
	v52 =	vpop (erf)  }
0xfd: {  	v53 =	vpop (erf);
	(erf) = vpow2.f32 v14  }
0xfe: {  	[tilespmem:s23+$0xFFFFFFF0] =	vst v16;
	v54 =	vpop (erf)  }
0xff: {  	[tilespmem:s24+$0xFFFFFFF0] =	vst v41;
	v55 =	vpop (erf)  }
0x100: {  	v1 =	vmax.f32 v1, $0.0e+00;
	v56 =	vadd.f32 $1.000000000e+00, v40;
	[tilespmem:s25+$0xFFFFFFF0] =	vst v39;
	v57 =	vpop (erf)  }
0x101: {  	[tilespmem:s26+$0xFFFFFFF0] =	vst v1;
	v1 =	vadd.f32 $1.000000000e+00, v51;
	v58 =	vpop (erf)  }
0x102: {  	v2 =	vmax.f32 v2, $0.0e+00;
	[tilespmem:s23+$0x0] =	vst v42;
	(erf) = vrcp.f32 v56;
	v59 =	vadd.f32 $1.000000000e+00, v53;
	v60 =	vpop (erf)  }
0x103: {  	[tilespmem:s24+$0x0] =	vst v46;
	(erf) = vrcp.f32 v1;
	v1 =	vadd.f32 $1.000000000e+00, v60  }
0x104: {  	[tilespmem:s25+$0x0] =	vst v50;
	(erf) = vrcp.f32 v59;
	v61 =	vpop (erf)  }
0x105: {  	[tilespmem:s26+$0x0] =	vst v2;
	v2 =	vpop (erf);
	(erf) = vrcp.f32 v1  }
0x106: {  	[tilespmem:s30+$0xFFFFFFF0] =	vst v52;
	v1 =	vadd.f32 $1.000000000e+00, v61;
	v62 =	vpop (erf)  }
0x107: {  	[tilespmem:s29+$0xFFFFFFF0] =	vst v57;
	v8 =	vadd.f32 $1.000000000e+00, v62  }
0x108: {  	v63 =	vadd.f32 $1.000000000e+00, v55;
	[tilespmem:s31+$0xFFFFFFF0] =	vst v54;
	(erf) = vrcp.f32 v1  }
0x109: {  	[tilespmem:s30+$0x0] =	vst v58;
	(erf) = vrcp.f32 v8  }
0x10a: {  	v6 =	vmax.f32 v6, $0.0e+00;
	[tilespmem:s29+$0x0] =	vst v2;
	v2 =	vmax.f32 v5, $0.0e+00;
	(erf) = vrcp.f32 v63  }
0x10b: {  	[tilespmem:s2+$0xFFFFFFF0] =	vst v6;
	v1 =	vpop (erf)  }
0x10c: {  	[tilespmem:s31+$0x0] =	vst v1;
	v1 =	vpop (erf)  }
0x10d: {  	[tilespmem:s2+$0x0] =	vst v2;
	v2 =	vpop (erf)  }
0x10e: {  	v3 =	vmul.f32 v9, v3;
	[tilespmem:s0+$0xFFFFFFF0] =	vst v1;
	v1 =	vpop (erf)  }
0x10f: {  	s28 =	sadd.s32 $0x1, s28;
	[tilespmem:s13+$0xFFFFFFF0] =	vst v1  }
0x110: {  	p0 =	sne.s32 s28, $0x38;
	v1 =	vmax.f32 v3, $0.0e+00;
	[tilespmem:s5+$0xFFFFFFF0] =	vst v2  }
.Ltmp4:
0x111: {  	v2 =	vpop (erf);
	[tilespmem:s14+$0xFFFFFFF0] =	vst v1;
	(pc) =	sbr.rel @p0 .LBB2_6-.Ltmp4, $4  }
0x112: {  	v1 =	vmul.f32 v7, v4;
	[tilespmem:s0+$0x0] =	vst v2;
	v2 =	vpop (erf)  }
0x113: {  	[tilespmem:s13+$0x0] =	vst v2;
	v2 =	vpop (erf)  }
0x114: {  	s21 =	sadd.s32 $0x200, s21;
	s22 =	sadd.s32 $0x80, s22;
	s4 =	sadd.s32 $0x80, s4;
	v1 =	vmax.f32 v1, $0.0e+00;
	[tilespmem:s5+$0x0] =	vst v2  }
0x115: {  	s19 =	sadd.s32 $0x80, s19;
	s17 =	sadd.s32 $0x80, s17;
	s18 =	sadd.s32 $0x80, s18;
	[tilespmem:s14+$0x0] =	vst v1  }
0x116: {  	_ =	strace $0x9000004A;
	s21 =	simm.s32 $0x38  }
0x117: {  	s22 =	simm.s32 $0x7C10;
	s23 =	simm.s32 $0x11C10;
	s24 =	simm.s32 $0x13C10  }
0x118: {  	s25 =	simm.s32 $0x15C10;
	s26 =	simm.s32 $0x17C10;
	_ =	strace $0x8000004B  }
.LBB2_12:
0x119: {  	s0 =	sand.u32 $0x7, s21  }
0x11a: {  	s0 =	sadd.s32 $0x1, s0  }
0x11b: {  	_ =	swait.ge [sflag:s0], $0x80  }
0x11c: {  	[sflag:s0] =	ssyncset.done $0x0  }
0x11d: {  	[sflag:s0] =	ssyncadd.s32 $0xFFFFFF80  }
0x11e: {  	_ =	swait.ge [sflag:s0], $0x80  }
0x11f: {  	[sflag:s0] =	ssyncset.done $0x0  }
0x120: {  	[sflag:s0] =	ssyncadd.s32 $0xFFFFFF80  }
0x121: {  	_ =	swait.ge [sflag:s0], $0x80  }
0x122: {  	[sflag:s0] =	ssyncset.done $0x0  }
0x123: {  	[sflag:s0] =	ssyncadd.s32 $0xFFFFFF80  }
0x124: {  	_ =	swait.ge [sflag:s0], $0x80  }
0x125: {  	[sflag:s0] =	ssyncset.done $0x0  }
0x126: {  	[sflag:s0] =	ssyncadd.s32 $0xFFFFFF80  }
0x127: {  	v2 =	vld [tilespmem:s23+$0xFFFFFFF0]  }
0x128: {  	v3 =	vld [tilespmem:s24+$0xFFFFFFF0]  }
0x129: {  	v4 =	vld [tilespmem:s22+$0xFFFFFFF0]  }
0x12a: {  	v5 =	vld [tilespmem:s25+$0xFFFFFFF0]  }
0x12b: {  	v6 =	vld [tilespmem:s22+$0x0]  }
0x12c: {  	v7 =	vld [tilespmem:s25+$0x0]  }
0x12d: {  	v1 =	vld [tilespmem:s24+$0x0]  }
0x12e: {  	v8 =	vld [tilespmem:s23+$0x0];
	v2 =	vmul.f32 v2, v4;
	_ =	sdelay $0x1  }
0x12f: {  	v9 =	vld [tilespmem:s26+$0x0];
	v5 =	vmul.f32 v5, v4;
	v2 =	vsub.f32 $0.0e+00, v2  }
0x130: {  	s29 =	sadd.s32 $0x20, s23;
	v10 =	vld [tilespmem:s26+$0xFFFFFFF0];
	v3 =	vmul.f32 v3, v4;
	v7 =	vmul.f32 v7, v6  }
0x131: {  	s4 =	sadd.s32 $0x20, s22;
	v12 =	vld [tilespmem:s29+$0xFFFFFFF0];
	v1 =	vmul.f32 v1, v6;
	v5 =	vsub.f32 $0.0e+00, v5;
	v2 =	vmul.f32 $1.442695020e+00, v2  }
0x132: {  	s28 =	sadd.s32 $0x20, s24;
	v14 =	vld [tilespmem:s4+$0xFFFFFFF0];
	v8 =	vmul.f32 v8, v6;
	v3 =	vsub.f32 $0.0e+00, v3;
	v7 =	vsub.f32 $0.0e+00, v7  }
0x133: {  	v11 =	vld [tilespmem:s28+$0x0];
	v1 =	vsub.f32 $0.0e+00, v1;
	v5 =	vmul.f32 $1.442695020e+00, v5;
	(erf) = vpow2.f32 v2  }
0x134: {  	s30 =	sadd.s32 $0x20, s25;
	v15 =	vld [tilespmem:s4+$0x0];
	v8 =	vsub.f32 $0.0e+00, v8;
	v7 =	vmul.f32 $1.442695020e+00, v7;
	v2 =	vmul.f32 $1.442695020e+00, v3  }
0x135: {  	v16 =	vld [tilespmem:s30+$0xFFFFFFF0];
	v3 =	vmul.f32 $1.442695020e+00, v1;
	v1 =	vmul.f32 v10, v4  }
0x136: {  	v13 =	vld [tilespmem:s28+$0xFFFFFFF0];
	(erf) = vpow2.f32 v5;
	v5 =	vmul.f32 $1.442695020e+00, v8  }
0x137: {  	v4 =	vld [tilespmem:s29+$0x0];
	(erf) = vpow2.f32 v7;
	v7 =	vmul.f32 v12, v14  }
0x138: {  	v8 =	vld [tilespmem:s30+$0x0];
	(erf) = vpow2.f32 v2  }
0x139: {  	v10 =	vmul.f32 v11, v15;
	(erf) = vpow2.f32 v5;
	v7 =	vsub.f32 $0.0e+00, v7  }
0x13a: {  	v2 =	vmul.f32 v9, v6;
	v6 =	vmul.f32 v16, v14  }
0x13b: {  	v10 =	vsub.f32 $0.0e+00, v10;
	v5 =	vmul.f32 v13, v14;
	v7 =	vmul.f32 $1.442695020e+00, v7  }
0x13c: {  	s2 =	sadd.s32 $0x20, s26;
	v9 =	vmul.f32 v4, v15;
	v6 =	vsub.f32 $0.0e+00, v6;
	(erf) = vpow2.f32 v3;
	v3 =	vpop (erf)  }
0x13d: {  	s13 =	sadd.s32 $0x20, s28;
	v4 =	vld [tilespmem:s2+$0xFFFFFFF0];
	v8 =	vmul.f32 v8, v15;
	v5 =	vsub.f32 $0.0e+00, v5;
	v12 =	vadd.f32 $1.000000000e+00, v3  }
0x13e: {  	s0 =	sadd.s32 $0x20, s29;
	v17 =	vld [tilespmem:s13+$0xFFFFFFF0];
	v16 =	vmul.f32 $1.442695020e+00, v6  }
0x13f: {  	s4 =	sadd.s32 $0x20, s4;
	v13 =	vld [tilespmem:s0+$0xFFFFFFF0];
	(erf) = vpow2.f32 v7;
	v18 =	vsub.f32 $0.0e+00, v8;
	v19 =	vmul.f32 $1.442695020e+00, v5;
	v7 =	vpop (erf)  }
0x140: {  	v8 =	vmul.f32 $1.442695020e+00, v10;
	v3 =	vld [tilespmem:s4+$0xFFFFFFF0];
	v10 =	vpop (erf);
	v5 =	vadd.f32 $1.000000000e+00, v7;
	(erf) = vrcp.f32 v12  }
0x141: {  	s5 =	sadd.s32 $0x20, s30;
	v11 =	vld [tilespmem:s2+$0x0];
	v7 =	vmul.f32 $1.442695020e+00, v18;
	(erf) = vpow2.f32 v16;
	v12 =	vpop (erf)  }
0x142: {  	v9 =	vsub.f32 $0.0e+00, v9;
	v6 =	vmul.f32 v4, v14;
	v16 =	vld [tilespmem:s5+$0xFFFFFFF0];
	(erf) = vrcp.f32 v5;
	v14 =	vpop (erf)  }
0x143: {  	v12 =	vadd.f32 $1.000000000e+00, v12;
	(erf) = vpow2.f32 v7;
	v7 =	vadd.f32 $1.000000000e+00, v14  }
0x144: {  	v9 =	vmul.f32 $1.442695020e+00, v9;
	v4 =	vld [tilespmem:s4+$0x0]  }
0x145: {  	v18 =	vld [tilespmem:s0+$0x0];
	(erf) = vrcp.f32 v12;
	v12 =	vmul.f32 v13, v3  }
0x146: {  	v5 =	vmul.f32 v11, v15;
	v15 =	vld [tilespmem:s13+$0x0];
	v11 =	vmul.f32 v17, v3  }
0x147: {  	v14 =	vld [tilespmem:s5+$0x0];
	(erf) = vrcp.f32 v7;
	v17 =	vmul.f32 v16, v3;
	v16 =	vsub.f32 $0.0e+00, v12;
	v7 =	vpop (erf)  }
0x148: {  	s6 =	simm.s32 $0x4;
	(erf) = vpow2.f32 v19;
	v13 =	vadd.f32 $1.000000000e+00, v7  }
0x149: {  	s19 =	smov.u32 s24;
	s17 =	smov.u32 s25;
	s14 =	sadd.s32 $0x20, s2;
	(erf) = vpow2.f32 v9  }
0x14a: {  	s18 =	smov.u32 s26;
	s9 =	sadd.s32 $0x20, s13;
	s16 =	smov.u32 s5;
	v12 =	vadd.f32 $1.000000000e+00, v10;
	v10 =	vmul.f32 v18, v4;
	v9 =	vpop (erf);
	v7 =	vld [tilespmem:s14+$0x0];
	(erf) = vrcp.f32 v13  }
0x14b: {  	s8 =	sadd.s32 $0x20, s0;
	s7 =	sadd.s32 $0x20, s4;
	s4 =	smov.u32 s23;
	v15 =	vmul.f32 v15, v4;
	v18 =	vmul.f32 $1.442695020e+00, v16;
	v13 =	vadd.f32 $1.000000000e+00, v9;
	v9 =	vld [tilespmem:s14+$0xFFFFFFF0];
	v16 =	vpop (erf)  }
.LBB2_13:
0x14c: {  	v19 =	vld [tilespmem:s9+$0x0];
	s6 =	sadd.s32 $0x2, s6;
	v22 =	vsub.f32 $0.0e+00, v17;
	v14 =	vmul.f32 v14, v4;
	v20 =	vpop (erf);
	(erf) = vpow2.f32 v8;
	[tilespmem:s4+$0xFFFFFFF0] =	vst v16;
	s10 =	smov.u32 s14  }
0x14d: {  	v8 =	vsub.f32 $0.0e+00, v11;
	s5 =	sadd.s32 $0x20, s5;
	v16 =	vld [tilespmem:s8+$0xFFFFFFF0];
	p0 =	slt.u32 s6, $0x6;
	v24 =	vsub.f32 $0.0e+00, v15;
	v15 =	vpop (erf);
	(erf) = vrcp.f32 v12  }
0x14e: {  	v21 =	vld [tilespmem:s9+$0xFFFFFFF0];
	v12 =	vmul.f32 $1.442695020e+00, v22;
	v14 =	vsub.f32 $0.0e+00, v14;
	(erf) = vpow2.f32 v18;
	v17 =	vpop (erf)  }
0x14f: {  	v23 =	vmov v5;
	v22 =	vmul.f32 $1.442695020e+00, v8;
	v18 =	vld [tilespmem:s7+$0xFFFFFFF0];
	v8 =	vmul.f32 $1.442695020e+00, v24;
	v11 =	vpop (erf)  }
0x150: {  	v20 =	vadd.f32 $1.000000000e+00, v20;
	v24 =	vld [tilespmem:s7+$0x0];
	v9 =	vmul.f32 v9, v3;
	(erf) = vrcp.f32 v13;
	[tilespmem:s19+$0xFFFFFFF0] =	vst v11;
	v11 =	vpop (erf)  }
0x151: {  	v13 =	vmul.f32 $1.442695020e+00, v14;
	(erf) = vpow2.f32 v12;
	v5 =	vpop (erf);
	[tilespmem:s17+$0xFFFFFFF0] =	vst v15;
	v12 =	vmax.f32 v1, $0.0e+00  }
0x152: {  	v10 =	vsub.f32 $0.0e+00, v10;
	v15 =	vld [tilespmem:s5+$0xFFFFFFF0];
	v14 =	vadd.f32 $1.000000000e+00, v5;
	(erf) = vrcp.f32 v20;
	v3 =	vpop (erf);
	[tilespmem:s18+$0xFFFFFFF0] =	vst v12  }
0x153: {  	v5 =	vmul.f32 v7, v4;
	v20 =	vld [tilespmem:s8+$0x0];
	(erf) = vpow2.f32 v13;
	v13 =	vadd.f32 $1.000000000e+00, v3;
	[tilespmem:s4+$0x0] =	vst v11;
	v1 =	vpop (erf);
	s4 =	smov.u32 s29;
	s29 =	smov.u32 s0;
	s0 =	smov.u32 s8  }
0x154: {  	v7 =	vmul.f32 $1.442695020e+00, v10;
	v12 =	vadd.f32 $1.000000000e+00, v17;
	(erf) = vrcp.f32 v14;
	[tilespmem:s19+$0x0] =	vst v1;
	v3 =	vmovc v18;
	v1 =	vmovc v6;
	s19 =	smov.u32 s28;
	s28 =	smov.u32 s13;
	s13 =	smov.u32 s9  }
.Ltmp5:
0x155: {  	v2 =	vmax.f32 v2, $0.0e+00;
	v16 =	vmul.f32 v16, v3;
	v14 =	vld [tilespmem:s5+$0x0];
	(erf) = vrcp.f32 v13;
	v4 =	vpop (erf);
	(pc) =	sbr.rel @p0 .LBB2_13-.Ltmp5, $4  }
0x156: {  	v11 =	vmul.f32 v21, v3;
	(erf) = vpow2.f32 v22;
	v18 =	vadd.f32 $1.000000000e+00, v4;
	v10 =	vpop (erf)  }
0x157: {  	s14 =	sadd.s32 $0x20, s14;
	v17 =	vmul.f32 v15, v3;
	v15 =	vsub.f32 $0.0e+00, v16;
	v6 =	vpop (erf);
	(erf) = vpow2.f32 v7;
	[tilespmem:s17+$0x0] =	vst v10;
	s17 =	smov.u32 s30;
	s30 =	smov.u32 s16  }
0x158: {  	v4 =	vmovc v24;
	s16 =	smov.u32 s5;
	v10 =	vmul.f32 v20, v24;
	v7 =	vld [tilespmem:s14+$0x0];
	v13 =	vadd.f32 $1.000000000e+00, v6;
	(erf) = vrcp.f32 v18;
	[tilespmem:s18+$0x0] =	vst v2;
	v6 =	vmovc v9;
	s18 =	smov.u32 s2;
	s2 =	smov.u32 s10  }
0x159: {  	s7 =	sadd.s32 $0x20, s7;
	s8 =	sadd.s32 $0x20, s8;
	s9 =	sadd.s32 $0x20, s9;
	v2 =	vmov v23;
	v9 =	vld [tilespmem:s14+$0xFFFFFFF0];
	v18 =	vmul.f32 $1.442695020e+00, v15;
	v15 =	vmul.f32 v19, v4;
	v16 =	vpop (erf)  }
0x15a: {  	v19 =	vpop (erf)  }
0x15b: {  	v17 =	vsub.f32 $0.0e+00, v17;
	v14 =	vmul.f32 v14, v4;
	(erf) = vpow2.f32 v8;
	v39 =	vpop (erf)  }
0x15c: {  	(erf) = vrcp.f32 v12;
	v40 =	vpop (erf)  }
0x15d: {  	v17 =	vmul.f32 $1.442695020e+00, v17;
	v14 =	vsub.f32 $0.0e+00, v14;
	(erf) = vpow2.f32 v18;
	v41 =	vpop (erf)  }
0x15e: {  	v19 =	vadd.f32 $1.000000000e+00, v19;
	(erf) = vrcp.f32 v13;
	v42 =	vpop (erf)  }
0x15f: {  	v14 =	vmul.f32 $1.442695020e+00, v14;
	(erf) = vpow2.f32 v17;
	v43 =	vpop (erf)  }
0x160: {  	v11 =	vsub.f32 $0.0e+00, v11;
	(erf) = vrcp.f32 v19;
	v17 =	vadd.f32 $1.000000000e+00, v43;
	v44 =	vpop (erf)  }
0x161: {  	(erf) = vpow2.f32 v14;
	v45 =	vadd.f32 $1.000000000e+00, v44  }
0x162: {  	v10 =	vsub.f32 $0.0e+00, v10;
	v11 =	vmul.f32 $1.442695020e+00, v11;
	(erf) = vrcp.f32 v17  }
0x163: {  	v46 =	vpop (erf);
	(erf) = vrcp.f32 v45  }
0x164: {  	v47 =	vsub.f32 $0.0e+00, v15;
	v10 =	vmul.f32 $1.442695020e+00, v10;
	v48 =	vpop (erf);
	(erf) = vpow2.f32 v11  }
0x165: {  	v49 =	vadd.f32 $1.000000000e+00, v48;
	v50 =	vpop (erf)  }
0x166: {  	v14 =	vmul.f32 $1.442695020e+00, v47;
	v51 =	vpop (erf);
	(erf) = vpow2.f32 v10  }
0x167: {  	(erf) = vrcp.f32 v49;
	v52 =	vpop (erf)  }
0x168: {  	v53 =	vpop (erf);
	(erf) = vpow2.f32 v14  }
0x169: {  	[tilespmem:s4+$0xFFFFFFF0] =	vst v16;
	v54 =	vpop (erf)  }
0x16a: {  	[tilespmem:s19+$0xFFFFFFF0] =	vst v41;
	v55 =	vpop (erf)  }
0x16b: {  	v1 =	vmax.f32 v1, $0.0e+00;
	v56 =	vadd.f32 $1.000000000e+00, v40;
	[tilespmem:s17+$0xFFFFFFF0] =	vst v39;
	v57 =	vpop (erf)  }
0x16c: {  	[tilespmem:s18+$0xFFFFFFF0] =	vst v1;
	v1 =	vadd.f32 $1.000000000e+00, v51;
	v58 =	vpop (erf)  }
0x16d: {  	v2 =	vmax.f32 v2, $0.0e+00;
	[tilespmem:s4+$0x0] =	vst v42;
	(erf) = vrcp.f32 v56;
	v59 =	vadd.f32 $1.000000000e+00, v53;
	v60 =	vpop (erf)  }
0x16e: {  	[tilespmem:s19+$0x0] =	vst v46;
	(erf) = vrcp.f32 v1;
	v1 =	vadd.f32 $1.000000000e+00, v60  }
0x16f: {  	[tilespmem:s17+$0x0] =	vst v50;
	(erf) = vrcp.f32 v59;
	v61 =	vpop (erf)  }
0x170: {  	[tilespmem:s18+$0x0] =	vst v2;
	v2 =	vpop (erf);
	(erf) = vrcp.f32 v1  }
0x171: {  	[tilespmem:s29+$0xFFFFFFF0] =	vst v52;
	v1 =	vadd.f32 $1.000000000e+00, v61;
	v62 =	vpop (erf)  }
0x172: {  	[tilespmem:s28+$0xFFFFFFF0] =	vst v57;
	v8 =	vadd.f32 $1.000000000e+00, v62  }
0x173: {  	v63 =	vadd.f32 $1.000000000e+00, v55;
	[tilespmem:s30+$0xFFFFFFF0] =	vst v54;
	(erf) = vrcp.f32 v1  }
0x174: {  	[tilespmem:s29+$0x0] =	vst v58;
	(erf) = vrcp.f32 v8  }
0x175: {  	v6 =	vmax.f32 v6, $0.0e+00;
	[tilespmem:s28+$0x0] =	vst v2;
	v2 =	vmax.f32 v5, $0.0e+00;
	(erf) = vrcp.f32 v63  }
0x176: {  	[tilespmem:s2+$0xFFFFFFF0] =	vst v6;
	v1 =	vpop (erf)  }
0x177: {  	[tilespmem:s30+$0x0] =	vst v1;
	v1 =	vpop (erf)  }
0x178: {  	[tilespmem:s2+$0x0] =	vst v2;
	v2 =	vpop (erf)  }
0x179: {  	v3 =	vmul.f32 v9, v3;
	[tilespmem:s0+$0xFFFFFFF0] =	vst v1;
	v1 =	vpop (erf)  }
0x17a: {  	s21 =	sadd.s32 $0x1, s21;
	[tilespmem:s13+$0xFFFFFFF0] =	vst v1  }
0x17b: {  	p0 =	sne.s32 s21, $0x40;
	v1 =	vmax.f32 v3, $0.0e+00;
	[tilespmem:s16+$0xFFFFFFF0] =	vst v2  }
.Ltmp6:
0x17c: {  	v2 =	vpop (erf);
	[tilespmem:s14+$0xFFFFFFF0] =	vst v1;
	(pc) =	sbr.rel @p0 .LBB2_12-.Ltmp6, $4  }
0x17d: {  	v1 =	vmul.f32 v7, v4;
	[tilespmem:s0+$0x0] =	vst v2;
	v2 =	vpop (erf)  }
0x17e: {  	[tilespmem:s13+$0x0] =	vst v2;
	v2 =	vpop (erf)  }
0x17f: {  	s22 =	sadd.s32 $0x80, s22;
	s23 =	sadd.s32 $0x80, s23;
	v1 =	vmax.f32 v1, $0.0e+00;
	[tilespmem:s16+$0x0] =	vst v2  }
0x180: {  	s24 =	sadd.s32 $0x80, s24;
	s25 =	sadd.s32 $0x80, s25;
	s26 =	sadd.s32 $0x80, s26;
	[tilespmem:s14+$0x0] =	vst v1  }
0x181: {  	_ =	strace $0x9000004B  }
0x182: {  	_ =	strace $0x8000004C  }
0x183: {  	s2 =	simm.s32 $0x10000;
	s0 =	rddreg [dreg:$0xc]  }
0x184: {  	[hbm4b:s0+s3] =	stream.linear.scatter [tilespmem:s2], [sflag:$0x9], $0x2000, $0x200038;
	[tilespmem:$0x18000] =	vst v63  }
0x185: {  	_ =	swait.ge [sflag:s12], $0x2000  }
0x186: {  	[sflag:s12] =	ssyncset.done $0x0  }
0x187: {  	s26 =	simm.s32 $0x12000;
	s25 =	rddreg [dreg:$0xd];
	[sflag:s12] =	ssyncadd.s32 $0xFFFFE000  }
0x188: {  	[hbm4b:s25+s3] =	stream.linear.scatter [tilespmem:s26], [sflag:$0x9], $0x2000, $0x200038;
	[tilespmem:$0x18000] =	vst v63  }
0x189: {  	_ =	swait.ge [sflag:s12], $0x2000  }
0x18a: {  	[sflag:s12] =	ssyncset.done $0x0  }
0x18b: {  	s29 =	simm.s32 $0x14000;
	s28 =	rddreg [dreg:$0xe];
	[sflag:s12] =	ssyncadd.s32 $0xFFFFE000  }
0x18c: {  	[hbm4b:s28+s3] =	stream.linear.scatter [tilespmem:s29], [sflag:$0x9], $0x2000, $0x200038;
	[tilespmem:$0x18000] =	vst v63  }
0x18d: {  	_ =	swait.ge [sflag:s12], $0x2000  }
0x18e: {  	s31 =	simm.s32 $0x16000;
	s20 =	sadd.s32 $0x1, s20;
	[sflag:s12] =	ssyncset.done $0x0  }
0x18f: {  	p0 =	sne.s32 s20, s11;
	s30 =	rddreg [dreg:$0xf];
	[sflag:s12] =	ssyncadd.s32 $0xFFFFE000  }
0x190: {  	[hbm4b:s30+s3] =	stream.linear.scatter [tilespmem:s31], [sflag:$0x9], $0x2000, $0x200038;
	[tilespmem:$0x18000] =	vst v63  }
.Ltmp7:
0x191: {  	_ = 	snop;
	(pc) =	sbr.rel @p0 .LBB2_1-.Ltmp7, $4  }
0x192: {  	_ =	swait.ge [sflag:s12], $0x2000  }
0x193: {  	[sflag:s12] =	ssyncset.done $0x0  }
0x194: {  	[sflag:s12] =	ssyncadd.s32 $0xFFFFE000  }
0x195: {  	_ =	strace $0x9000004C  }
0x196: {  	_ =	sfence.sel $0x180000  }
0x197: {  	[bflag:$0x0] =	sbarrier.arrive $0xFFFF  }
0x198: {  	_ =	strace $0x90000047  }
0x199: {  	s0 =	stileid.u32;
	[bflag:$0x2] =	sbarrier.arrive $0xFFFF  }
0x19a: {  	p0 =	sne.s32 s0, $0x0;
	s0 =	rddreg [dreg:$0x8]  }
0x19b: {  	s0 =	sadd.s32 @!p0 $0x100000, s0  }
0x19c: {  	[sflag:s0] =	ssyncadd.tile.s32 @!p0 $0x1;
	_ =	shalt  }
.Lfunc_end2:
_tile_overlayer_lowered:
.L_overlay_start_2:
0x19d: {  	(tag) =	ssettag $0x2  }
0x19e: {  	s0 =	rddreg [dreg:$0x0];
	s2 =	stileid.u32  }
0x19f: {  	s1 =	rddreg [dreg:$0x1];
	p0 =	sne.s32 s2, $0x0  }
0x1a0: {  	s3 =	rddreg [dreg:$0x2];
	[bflag:$0x3] =	sbarrier.arrive $0xFFFF;
	s2 =	simm.s32 @!p0 $0x1C09  }
0x1a1: {  	[timem:s3], [sflag:s2] =	dma.local @!p0 [hbm:s0], s1  }
0x1a2: {  	s0 =	simm.s32 @!p0 $0x9  }
0x1a3: {  	_ =	swait.ge @!p0 [sflag:s0], s1  }
0x1a4: {  	s1 =	ssub.s32 @!p0 $0x0, s1;
	[sflag:s0] =	ssyncset.done @!p0 $0x0  }
0x1a5: {  	[sflag:s0] =	ssyncadd.s32 @!p0 s1  }
0x1a6: {  	[bflag:$0x3] =	sbarrier.arrive $0xFFFF  }
0x1a7: {  	_ =	shalt  }

</sc_bundles>
